<compile_context>
chip_gen: v7x
topology: tpu7x:2x2x1
jax: 0.10.2.dev20260603
libtpu: 0.0.44.dev20260713+nightly
codegen_flags: <defaults>
</compile_context>

<pallas_src>
import functools

import jax
import jax.numpy as jnp
from jax import lax
from jax.experimental import pallas as pl
from jax.experimental.pallas import tpu as pltpu
from jax.experimental.pallas import tpu_sc as plsc

NC = 2
NS = 16
NW = NC * NS
L = 16

ROW_IN = 128
ROW_OUT = 64
NQ = ROW_OUT // L

NBUF = 4
ROWS_PER_CHUNK = 128
IN_CHUNK = ROWS_PER_CHUNK * ROW_IN
OUT_CHUNK = ROWS_PER_CHUNK * ROW_OUT


def _make_sc_gather(total_rows: int):
    assert total_rows % (NW * ROWS_PER_CHUNK * NBUF) == 0
    rows_per_w = total_rows // NW
    chunks = rows_per_w // ROWS_PER_CHUNK

    mesh = plsc.VectorSubcoreMesh(
        core_axis_name="c", subcore_axis_name="s",
        num_cores=NC, num_subcores=NS,
    )

    @functools.partial(
        pl.kernel,
        out_type=jax.ShapeDtypeStruct((total_rows * ROW_OUT,), jnp.float32),
        mesh=mesh,
        compiler_params=pltpu.CompilerParams(needs_layout_passes=False),
        scratch_types=[
            pltpu.VMEM((ROW_OUT,), jnp.int32),
        ] + [pltpu.VMEM((IN_CHUNK,), jnp.float32) for _ in range(NBUF)]
          + [pltpu.VMEM((OUT_CHUNK,), jnp.float32) for _ in range(NBUF)]
          + [
            pltpu.SemaphoreType.DMA((NBUF,)),
            pltpu.SemaphoreType.DMA((NBUF,)),
        ],
    )
    def sc_gather(in_hbm, idx_hbm, out_hbm, idx_v, *bufs):
        in_bufs = bufs[:NBUF]
        out_bufs = bufs[NBUF:2 * NBUF]
        sem_in, sem_out = bufs[2 * NBUF], bufs[2 * NBUF + 1]

        c = lax.axis_index("c")
        s = lax.axis_index("s")
        wid = s * NC + c

        pltpu.sync_copy(idx_hbm, idx_v)
        idxq = [idx_v[pl.ds(L * q, L)] for q in range(NQ)]

        base_in = wid * (rows_per_w * ROW_IN)
        base_out = wid * (rows_per_w * ROW_OUT)

        def start_in(t, b):
            pltpu.async_copy(
                in_hbm.at[pl.ds(base_in + t * IN_CHUNK, IN_CHUNK)],
                in_bufs[b], sem_in.at[b])

        def wait_in(b):
            pltpu.make_async_copy(
                in_hbm.at[pl.ds(base_in, IN_CHUNK)],
                in_bufs[b], sem_in.at[b]).wait()

        def start_out(t, b):
            pltpu.async_copy(
                out_bufs[b],
                out_hbm.at[pl.ds(base_out + t * OUT_CHUNK, OUT_CHUNK)],
                sem_out.at[b])

        def wait_out(b):
            pltpu.make_async_copy(
                out_bufs[b],
                out_hbm.at[pl.ds(base_out, OUT_CHUNK)],
                sem_out.at[b]).wait()

        for b in range(NBUF):
            start_in(b, b)

        @pl.loop(0, chunks, step=NBUF)
        def _ring(t):
            for b in range(NBUF):
                cur = t + b
                wait_in(b)

                @pl.when(cur >= NBUF)
                def _():
                    wait_out(b)

                @plsc.parallel_loop(0, ROWS_PER_CHUNK, unroll=8)
                def _row(r):
                    rb = r * ROW_IN
                    ob = r * ROW_OUT
                    for q in range(NQ):
                        v = plsc.load_gather(in_bufs[b], [idxq[q] + rb])
                        out_bufs[b][pl.ds(ob + L * q, L)] = v

                @pl.when(cur + NBUF < chunks)
                def _():
                    start_in(cur + NBUF, b)

                start_out(cur, b)

        for b in range(NBUF):
            wait_out(b)

    return sc_gather


TC_BLOCK_ROWS = 8192


def _tc_body(idx_ref, x_ref, o_ref):
    idx = idx_ref[0, 0, :]
    onehot = (lax.broadcasted_iota(jnp.int32, (ROW_IN, ROW_OUT), 0)
              == idx[None, :]).astype(jnp.float32)
    o_ref[...] = jnp.dot(x_ref[...], onehot,
                         preferred_element_type=jnp.float32,
                         precision=lax.Precision.HIGHEST)


def _tc_gather(x2d, indices):
    nr = x2d.shape[0]
    assert nr % TC_BLOCK_ROWS == 0
    grid = (nr // TC_BLOCK_ROWS,)
    return pl.pallas_call(
        _tc_body,
        grid=grid,
        in_specs=[
            pl.BlockSpec((1, 1, ROW_OUT), lambda i: (0, 0, 0)),
            pl.BlockSpec((TC_BLOCK_ROWS, ROW_IN), lambda i: (i, 0)),
        ],
        out_specs=pl.BlockSpec((TC_BLOCK_ROWS, ROW_OUT), lambda i: (i, 0)),
        out_shape=jax.ShapeDtypeStruct((nr, ROW_OUT), jnp.float32),
    )(indices.reshape(1, 1, ROW_OUT), x2d)


def _tc_body2(idx_ref, x_ref, o_ref):
    idx = idx_ref[0, 0, :]
    idx2d = jnp.broadcast_to(idx[None, :], (x_ref.shape[0], ROW_OUT))
    o_ref[...] = jnp.take_along_axis(x_ref[...], idx2d, axis=1)


def _tc_take(x2d, indices, row0):
    nr = x2d.shape[0]
    assert row0 % TC_BLOCK_ROWS == 0 and nr % TC_BLOCK_ROWS == 0
    blk0 = row0 // TC_BLOCK_ROWS
    grid = ((nr - row0) // TC_BLOCK_ROWS,)
    return pl.pallas_call(
        _tc_body2,
        grid=grid,
        in_specs=[
            pl.BlockSpec((1, 1, ROW_OUT), lambda i: (0, 0, 0)),
            pl.BlockSpec((TC_BLOCK_ROWS, ROW_IN), lambda i: (blk0 + i, 0)),
        ],
        out_specs=pl.BlockSpec((TC_BLOCK_ROWS, ROW_OUT),
                               lambda i: (blk0 + i, 0)),
        out_shape=jax.ShapeDtypeStruct((nr, ROW_OUT), jnp.float32),
    )(indices.reshape(1, 1, ROW_OUT), x2d)


SC_UNITS = 77
ROW_UNIT = NW * ROWS_PER_CHUNK * NBUF


def kernel(inputs, indices):
    b, s, f = inputs.shape
    k = indices.shape[0]
    assert f == ROW_IN and k == ROW_OUT
    total_rows = b * s
    sc_rows = SC_UNITS * ROW_UNIT
    flat = inputs.reshape(total_rows * ROW_IN)
    sc_out = _make_sc_gather(sc_rows)(flat, indices)
    tc_out = _tc_take(inputs.reshape(total_rows, ROW_IN), indices, sc_rows)
    out2d = lax.dynamic_update_slice(
        tc_out, sc_out.reshape(sc_rows, ROW_OUT), (0, 0))
    return out2d.reshape(b, s, k)

# --- scband reference (transcript-rebuilt; emitter-appended) ---
"""Pipeline reference for scband-select-feature-indices-26594437497050 (READ-ONLY COPY).

The authoritative reference and input builder live on the scoring server;
editing this copy changes nothing except your own understanding.
"""

import jax, jax.numpy as jnp
import numpy as np

INDICES = jnp.array([0, 2, 4, 6, 8, 10, 12, 14, 16, 18, 20, 22, 24, 26, 28, 30, 32, 34, 36, 38, 40, 42, 44, 46, 48, 50, 52, 54, 56, 58, 60, 62, 64, 66, 68, 70, 72, 74, 76, 78, 80, 82, 84, 86, 88, 90, 92, 94, 96, 98, 100, 102, 104, 106, 108, 110, 112, 114, 116, 118, 120, 122, 124, 126], dtype=jnp.int32)

def setup_inputs(seed: int = 0) -> dict:
    key = jax.random.key(seed)
    inputs = jax.random.normal(key, (16384, 200, 128), dtype=jnp.float32)
    return {"inputs": inputs, "indices": INDICES}

def reference(inputs, indices):
    # tf.gather(inputs, indices, axis=-1)
    return jnp.take(inputs, indices, axis=-1)

if __name__ == "__main__":
    import jax
    _d = setup_inputs()
    print(jax.jit(kernel)(*tuple(_d.values())))

</pallas_src>

<mosaic_0001>
#map = affine_map<(d0, d1) -> (0)>
module attributes {stable_mosaic.version = 14 : i64} {
  func.func @sc_gather(%arg0: i32, %arg1: i32, %arg2: memref<419430400xf32, #tpu.memory_space<hbm>>, %arg3: memref<64xi32, #tpu.memory_space<hbm>>, %arg4: memref<80740352xf32, #tpu.memory_space<hbm>>, %arg5: memref<64xi32, #tpu.memory_space<vmem>>, %arg6: memref<16384xf32, #tpu.memory_space<vmem>>, %arg7: memref<16384xf32, #tpu.memory_space<vmem>>, %arg8: memref<16384xf32, #tpu.memory_space<vmem>>, %arg9: memref<16384xf32, #tpu.memory_space<vmem>>, %arg10: memref<8192xf32, #tpu.memory_space<vmem>>, %arg11: memref<8192xf32, #tpu.memory_space<vmem>>, %arg12: memref<8192xf32, #tpu.memory_space<vmem>>, %arg13: memref<8192xf32, #tpu.memory_space<vmem>>, %arg14: memref<4x!tpu.dma_semaphore, #tpu.memory_space<semaphore_mem>>, %arg15: memref<4x!tpu.dma_semaphore, #tpu.memory_space<semaphore_mem>>) attributes {dimension_semantics = [#tpu.dimension_semantics<core_parallel>, #tpu.dimension_semantics<subcore_parallel>], iteration_bounds = array<i64: 2, 16>, scalar_prefetch = 0 : i64, scratch_operands = 11 : i64, tpu.core_type = #tpu.core_type<sc_vector_subcore>, window_params = [{transform_indices = #map}, {transform_indices = #map}, {transform_indices = #map}]} {
    %mul3A = arith.constant 2 : i32
    %mul3A_0 = arith.muli %arg1, %mul3A : i32
    %add3A = arith.addi %mul3A_0, %arg0 : i32
    "tpu.region"() ({
      %run_scoped3A = tpu.sem_alloc : memref<!tpu.dma_semaphore, #tpu.memory_space<semaphore_mem>>
      tpu.enqueue_dma source(%arg3 : memref<64xi32, #tpu.memory_space<hbm>>) target(%arg5 : memref<64xi32, #tpu.memory_space<vmem>>) target_semaphore(%run_scoped3A : memref<!tpu.dma_semaphore, #tpu.memory_space<semaphore_mem>>)
      tpu.wait_dma2 semaphore(%run_scoped3A : memref<!tpu.dma_semaphore, #tpu.memory_space<semaphore_mem>>) src(%arg3 : memref<64xi32, #tpu.memory_space<hbm>>) dst(%arg5 : memref<64xi32, #tpu.memory_space<vmem>>)
      tpu.yield
    }) : () -> ()
    %get3A = arith.constant 0 : index
    %get3A_1 = tpu.vector_load %arg5[%get3A] {strides = array<i32>} : memref<64xi32, #tpu.memory_space<vmem>>, vector<16xi32>,
    %get3A_2 = arith.constant 16 : index
    %get3A_3 = tpu.vector_load %arg5[%get3A_2] {strides = array<i32>} : memref<64xi32, #tpu.memory_space<vmem>>, vector<16xi32>,
    %get3A_4 = arith.constant 32 : index
    %get3A_5 = tpu.vector_load %arg5[%get3A_4] {strides = array<i32>} : memref<64xi32, #tpu.memory_space<vmem>>, vector<16xi32>,
    %get3A_6 = arith.constant 48 : index
    %get3A_7 = tpu.vector_load %arg5[%get3A_6] {strides = array<i32>} : memref<64xi32, #tpu.memory_space<vmem>>, vector<16xi32>,
    %mul3A_8 = arith.constant 5046272 : i32
    %mul3A_9 = arith.muli %add3A, %mul3A_8 : i32
    %mul3A_10 = arith.constant 2523136 : i32
    %mul3A_11 = arith.muli %add3A, %mul3A_10 : i32
    %add3A_12 = arith.constant 0 : i32
    %add3A_13 = arith.addi %mul3A_9, %add3A_12 : i32
    %dma_start3A = arith.constant 0 : i32
    %dma_start3A_14 = tpu.memref_slice %arg2[%add3A_13] : memref<419430400xf32, #tpu.memory_space<hbm>> -> memref<16384xf32, #tpu.memory_space<hbm>>
    %dma_start3A_15 = tpu.memref_slice %arg14[%dma_start3A] : memref<4x!tpu.dma_semaphore, #tpu.memory_space<semaphore_mem>> -> memref<1x!tpu.dma_semaphore, #tpu.memory_space<semaphore_mem>>
    %dma_start3A_16 = tpu.memref_squeeze %dma_start3A_15 : memref<1x!tpu.dma_semaphore, #tpu.memory_space<semaphore_mem>> -> memref<!tpu.dma_semaphore, #tpu.memory_space<semaphore_mem>>
    %dma_start3A_17 = tpu.memref_slice %arg2[%add3A_13] : memref<419430400xf32, #tpu.memory_space<hbm>> -> memref<16384xf32, #tpu.memory_space<hbm>>
    tpu.enqueue_dma source(%dma_start3A_17 : memref<16384xf32, #tpu.memory_space<hbm>>) target(%arg6 : memref<16384xf32, #tpu.memory_space<vmem>>) target_semaphore(%dma_start3A_16 : memref<!tpu.dma_semaphore, #tpu.memory_space<semaphore_mem>>)
    %add3A_18 = arith.constant 16384 : i32
    %add3A_19 = arith.addi %mul3A_9, %add3A_18 : i32
    %dma_start3A_20 = arith.constant 1 : i32
    %dma_start3A_21 = tpu.memref_slice %arg2[%add3A_19] : memref<419430400xf32, #tpu.memory_space<hbm>> -> memref<16384xf32, #tpu.memory_space<hbm>>
    %dma_start3A_22 = tpu.memref_slice %arg14[%dma_start3A_20] : memref<4x!tpu.dma_semaphore, #tpu.memory_space<semaphore_mem>> -> memref<1x!tpu.dma_semaphore, #tpu.memory_space<semaphore_mem>>
    %dma_start3A_23 = tpu.memref_squeeze %dma_start3A_22 : memref<1x!tpu.dma_semaphore, #tpu.memory_space<semaphore_mem>> -> memref<!tpu.dma_semaphore, #tpu.memory_space<semaphore_mem>>
    %dma_start3A_24 = tpu.memref_slice %arg2[%add3A_19] : memref<419430400xf32, #tpu.memory_space<hbm>> -> memref<16384xf32, #tpu.memory_space<hbm>>
    tpu.enqueue_dma source(%dma_start3A_24 : memref<16384xf32, #tpu.memory_space<hbm>>) target(%arg7 : memref<16384xf32, #tpu.memory_space<vmem>>) target_semaphore(%dma_start3A_23 : memref<!tpu.dma_semaphore, #tpu.memory_space<semaphore_mem>>)
    %add3A_25 = arith.constant 32768 : i32
    %add3A_26 = arith.addi %mul3A_9, %add3A_25 : i32
    %dma_start3A_27 = arith.constant 2 : i32
    %dma_start3A_28 = tpu.memref_slice %arg2[%add3A_26] : memref<419430400xf32, #tpu.memory_space<hbm>> -> memref<16384xf32, #tpu.memory_space<hbm>>
    %dma_start3A_29 = tpu.memref_slice %arg14[%dma_start3A_27] : memref<4x!tpu.dma_semaphore, #tpu.memory_space<semaphore_mem>> -> memref<1x!tpu.dma_semaphore, #tpu.memory_space<semaphore_mem>>
    %dma_start3A_30 = tpu.memref_squeeze %dma_start3A_29 : memref<1x!tpu.dma_semaphore, #tpu.memory_space<semaphore_mem>> -> memref<!tpu.dma_semaphore, #tpu.memory_space<semaphore_mem>>
    %dma_start3A_31 = tpu.memref_slice %arg2[%add3A_26] : memref<419430400xf32, #tpu.memory_space<hbm>> -> memref<16384xf32, #tpu.memory_space<hbm>>
    tpu.enqueue_dma source(%dma_start3A_31 : memref<16384xf32, #tpu.memory_space<hbm>>) target(%arg8 : memref<16384xf32, #tpu.memory_space<vmem>>) target_semaphore(%dma_start3A_30 : memref<!tpu.dma_semaphore, #tpu.memory_space<semaphore_mem>>)
    %add3A_32 = arith.constant 49152 : i32
    %add3A_33 = arith.addi %mul3A_9, %add3A_32 : i32
    %dma_start3A_34 = arith.constant 3 : i32
    %dma_start3A_35 = tpu.memref_slice %arg2[%add3A_33] : memref<419430400xf32, #tpu.memory_space<hbm>> -> memref<16384xf32, #tpu.memory_space<hbm>>
    %dma_start3A_36 = tpu.memref_slice %arg14[%dma_start3A_34] : memref<4x!tpu.dma_semaphore, #tpu.memory_space<semaphore_mem>> -> memref<1x!tpu.dma_semaphore, #tpu.memory_space<semaphore_mem>>
    %dma_start3A_37 = tpu.memref_squeeze %dma_start3A_36 : memref<1x!tpu.dma_semaphore, #tpu.memory_space<semaphore_mem>> -> memref<!tpu.dma_semaphore, #tpu.memory_space<semaphore_mem>>
    %dma_start3A_38 = tpu.memref_slice %arg2[%add3A_33] : memref<419430400xf32, #tpu.memory_space<hbm>> -> memref<16384xf32, #tpu.memory_space<hbm>>
    tpu.enqueue_dma source(%dma_start3A_38 : memref<16384xf32, #tpu.memory_space<hbm>>) target(%arg9 : memref<16384xf32, #tpu.memory_space<vmem>>) target_semaphore(%dma_start3A_37 : memref<!tpu.dma_semaphore, #tpu.memory_space<semaphore_mem>>)
    %scan3A = arith.constant 0 : i32
    %scan3A_39 = arith.constant 77 : i32
    %scan3A_40 = arith.addi %scan3A, %scan3A_39 : i32
    %scan3A_41 = arith.constant 1 : i32
    scf.for %scan3A_62 = %scan3A to %scan3A_40 step %scan3A_41  : i32 {
      %mul3A_63 = arith.constant 4 : i32
      %mul3A_64 = arith.muli %scan3A_62, %mul3A_63 : i32
      %add3A_65 = arith.constant 0 : i32
      %add3A_66 = arith.addi %add3A_65, %mul3A_64 : i32
      %add3A_67 = arith.constant 0 : i32
      %add3A_68 = arith.addi %add3A_66, %add3A_67 : i32
      %dma_wait3A_69 = arith.constant 0 : i32
      %dma_wait3A_70 = tpu.memref_slice %arg2[%mul3A_9] : memref<419430400xf32, #tpu.memory_space<hbm>> -> memref<16384xf32, #tpu.memory_space<hbm>>
      %dma_wait3A_71 = tpu.memref_slice %arg14[%dma_wait3A_69] : memref<4x!tpu.dma_semaphore, #tpu.memory_space<semaphore_mem>> -> memref<1x!tpu.dma_semaphore, #tpu.memory_space<semaphore_mem>>
      %dma_wait3A_72 = tpu.memref_squeeze %dma_wait3A_71 : memref<1x!tpu.dma_semaphore, #tpu.memory_space<semaphore_mem>> -> memref<!tpu.dma_semaphore, #tpu.memory_space<semaphore_mem>>
      %dma_wait3A_73 = tpu.memref_slice %arg2[%mul3A_9] : memref<419430400xf32, #tpu.memory_space<hbm>> -> memref<16384xf32, #tpu.memory_space<hbm>>
      tpu.wait_dma2 semaphore(%dma_wait3A_72 : memref<!tpu.dma_semaphore, #tpu.memory_space<semaphore_mem>>) src(%dma_wait3A_73 : memref<16384xf32, #tpu.memory_space<hbm>>) dst(%arg6 : memref<16384xf32, #tpu.memory_space<vmem>>)
      %ge3A = arith.constant 4 : i32
      %ge3A_74 = arith.cmpi sge, %add3A_68, %ge3A : i32
      %convert_element_type3A = arith.extui %ge3A_74 : i1 to i32
      %cond3A = arith.constant 0 : i32
      %cond3A_75 = arith.cmpi ne, %convert_element_type3A, %cond3A : i32
      scf.if %cond3A_75 {
        %dma_wait3A_182 = arith.constant 0 : i32
        %dma_wait3A_183 = tpu.memref_slice %arg4[%mul3A_11] : memref<80740352xf32, #tpu.memory_space<hbm>> -> memref<8192xf32, #tpu.memory_space<hbm>>
        %dma_wait3A_184 = tpu.memref_slice %arg15[%dma_wait3A_182] : memref<4x!tpu.dma_semaphore, #tpu.memory_space<semaphore_mem>> -> memref<1x!tpu.dma_semaphore, #tpu.memory_space<semaphore_mem>>
        %dma_wait3A_185 = tpu.memref_squeeze %dma_wait3A_184 : memref<1x!tpu.dma_semaphore, #tpu.memory_space<semaphore_mem>> -> memref<!tpu.dma_semaphore, #tpu.memory_space<semaphore_mem>>
        %dma_wait3A_186 = tpu.memref_slice %arg4[%mul3A_11] : memref<80740352xf32, #tpu.memory_space<hbm>> -> memref<8192xf32, #tpu.memory_space<hbm>>
        tpu.wait_dma2 semaphore(%dma_wait3A_185 : memref<!tpu.dma_semaphore, #tpu.memory_space<semaphore_mem>>) src(%arg10 : memref<8192xf32, #tpu.memory_space<vmem>>) dst(%dma_wait3A_186 : memref<8192xf32, #tpu.memory_space<hbm>>)
      } else {
      }
      %parallel_loop3A = arith.constant 0 : i32
      %parallel_loop3A_76 = arith.constant 128 : i32
      %parallel_loop3A_77 = arith.constant 1 : i32
      scf.for %parallel_loop3A_182 = %parallel_loop3A to %parallel_loop3A_76 step %parallel_loop3A_77  : i32 {
        %parallel_loop3A_183 = arith.constant 128 : i32
        %parallel_loop3A_184 = arith.muli %parallel_loop3A_182, %parallel_loop3A_183 : i32
        %parallel_loop3A_185 = arith.constant 64 : i32
        %parallel_loop3A_186 = arith.muli %parallel_loop3A_182, %parallel_loop3A_185 : i32
        %parallel_loop3A_187 = vector.broadcast %parallel_loop3A_184 : i32 to vector<16xi32>
        %parallel_loop3A_188 = arith.addi %get3A_1, %parallel_loop3A_187 : vector<16xi32>
        %parallel_loop3A_189 = tpu.vector_load_idx %arg6[%parallel_loop3A_188] : memref<16384xf32, #tpu.memory_space<vmem>>[vector<16xi32>], vector<16xf32>,
        %parallel_loop3A_190 = arith.constant 0 : i32
        %parallel_loop3A_191 = arith.addi %parallel_loop3A_186, %parallel_loop3A_190 : i32
        %parallel_loop3A_192 = arith.index_cast %parallel_loop3A_191 : i32 to index
        %parallel_loop3A_193 = tpu.vector_load %arg10[%parallel_loop3A_192] {strides = array<i32>} : memref<8192xf32, #tpu.memory_space<vmem>>, vector<16xf32>,
        tpu.vector_store %arg10[%parallel_loop3A_192], %parallel_loop3A_189 {strides = array<i32>} : memref<8192xf32, #tpu.memory_space<vmem>>, vector<16xf32>,
        %parallel_loop3A_194 = vector.broadcast %parallel_loop3A_184 : i32 to vector<16xi32>
        %parallel_loop3A_195 = arith.addi %get3A_3, %parallel_loop3A_194 : vector<16xi32>
        %parallel_loop3A_196 = tpu.vector_load_idx %arg6[%parallel_loop3A_195] : memref<16384xf32, #tpu.memory_space<vmem>>[vector<16xi32>], vector<16xf32>,
        %parallel_loop3A_197 = arith.constant 16 : i32
        %parallel_loop3A_198 = arith.addi %parallel_loop3A_186, %parallel_loop3A_197 : i32
        %parallel_loop3A_199 = arith.index_cast %parallel_loop3A_198 : i32 to index
        %parallel_loop3A_200 = tpu.vector_load %arg10[%parallel_loop3A_199] {strides = array<i32>} : memref<8192xf32, #tpu.memory_space<vmem>>, vector<16xf32>,
        tpu.vector_store %arg10[%parallel_loop3A_199], %parallel_loop3A_196 {strides = array<i32>} : memref<8192xf32, #tpu.memory_space<vmem>>, vector<16xf32>,
        %parallel_loop3A_201 = vector.broadcast %parallel_loop3A_184 : i32 to vector<16xi32>
        %parallel_loop3A_202 = arith.addi %get3A_5, %parallel_loop3A_201 : vector<16xi32>
        %parallel_loop3A_203 = tpu.vector_load_idx %arg6[%parallel_loop3A_202] : memref<16384xf32, #tpu.memory_space<vmem>>[vector<16xi32>], vector<16xf32>,
        %parallel_loop3A_204 = arith.constant 32 : i32
        %parallel_loop3A_205 = arith.addi %parallel_loop3A_186, %parallel_loop3A_204 : i32
        %parallel_loop3A_206 = arith.index_cast %parallel_loop3A_205 : i32 to index
        %parallel_loop3A_207 = tpu.vector_load %arg10[%parallel_loop3A_206] {strides = array<i32>} : memref<8192xf32, #tpu.memory_space<vmem>>, vector<16xf32>,
        tpu.vector_store %arg10[%parallel_loop3A_206], %parallel_loop3A_203 {strides = array<i32>} : memref<8192xf32, #tpu.memory_space<vmem>>, vector<16xf32>,
        %parallel_loop3A_208 = vector.broadcast %parallel_loop3A_184 : i32 to vector<16xi32>
        %parallel_loop3A_209 = arith.addi %get3A_7, %parallel_loop3A_208 : vector<16xi32>
        %parallel_loop3A_210 = tpu.vector_load_idx %arg6[%parallel_loop3A_209] : memref<16384xf32, #tpu.memory_space<vmem>>[vector<16xi32>], vector<16xf32>,
        %parallel_loop3A_211 = arith.constant 48 : i32
        %parallel_loop3A_212 = arith.addi %parallel_loop3A_186, %parallel_loop3A_211 : i32
        %parallel_loop3A_213 = arith.index_cast %parallel_loop3A_212 : i32 to index
        %parallel_loop3A_214 = tpu.vector_load %arg10[%parallel_loop3A_213] {strides = array<i32>} : memref<8192xf32, #tpu.memory_space<vmem>>, vector<16xf32>,
        tpu.vector_store %arg10[%parallel_loop3A_213], %parallel_loop3A_210 {strides = array<i32>} : memref<8192xf32, #tpu.memory_space<vmem>>, vector<16xf32>,
      } {sc.loop_unroll_factor = 8 : i64, sc.parallel_access}
      %add3A_78 = arith.constant 4 : i32
      %add3A_79 = arith.addi %add3A_68, %add3A_78 : i32
      %lt3A = arith.constant 308 : i32
      %lt3A_80 = arith.cmpi slt, %add3A_79, %lt3A : i32
      %convert_element_type3A_81 = arith.extui %lt3A_80 : i1 to i32
      %cond3A_82 = arith.constant 0 : i32
      %cond3A_83 = arith.cmpi ne, %convert_element_type3A_81, %cond3A_82 : i32
      scf.if %cond3A_83 {
        %add3A_182 = arith.constant 4 : i32
        %add3A_183 = arith.addi %add3A_68, %add3A_182 : i32
        %mul3A_184 = arith.constant 16384 : i32
        %mul3A_185 = arith.muli %add3A_183, %mul3A_184 : i32
        %add3A_186 = arith.addi %mul3A_9, %mul3A_185 : i32
        %dma_start3A_187 = arith.constant 0 : i32
        %dma_start3A_188 = tpu.memref_slice %arg2[%add3A_186] : memref<419430400xf32, #tpu.memory_space<hbm>> -> memref<16384xf32, #tpu.memory_space<hbm>>
        %dma_start3A_189 = tpu.memref_slice %arg14[%dma_start3A_187] : memref<4x!tpu.dma_semaphore, #tpu.memory_space<semaphore_mem>> -> memref<1x!tpu.dma_semaphore, #tpu.memory_space<semaphore_mem>>
        %dma_start3A_190 = tpu.memref_squeeze %dma_start3A_189 : memref<1x!tpu.dma_semaphore, #tpu.memory_space<semaphore_mem>> -> memref<!tpu.dma_semaphore, #tpu.memory_space<semaphore_mem>>
        %dma_start3A_191 = tpu.memref_slice %arg2[%add3A_186] : memref<419430400xf32, #tpu.memory_space<hbm>> -> memref<16384xf32, #tpu.memory_space<hbm>>
        tpu.enqueue_dma source(%dma_start3A_191 : memref<16384xf32, #tpu.memory_space<hbm>>) target(%arg6 : memref<16384xf32, #tpu.memory_space<vmem>>) target_semaphore(%dma_start3A_190 : memref<!tpu.dma_semaphore, #tpu.memory_space<semaphore_mem>>)
      } else {
      }
      %mul3A_84 = arith.constant 8192 : i32
      %mul3A_85 = arith.muli %add3A_68, %mul3A_84 : i32
      %add3A_86 = arith.addi %mul3A_11, %mul3A_85 : i32
      %dma_start3A_87 = arith.constant 0 : i32
      %dma_start3A_88 = tpu.memref_slice %arg4[%add3A_86] : memref<80740352xf32, #tpu.memory_space<hbm>> -> memref<8192xf32, #tpu.memory_space<hbm>>
      %dma_start3A_89 = tpu.memref_slice %arg15[%dma_start3A_87] : memref<4x!tpu.dma_semaphore, #tpu.memory_space<semaphore_mem>> -> memref<1x!tpu.dma_semaphore, #tpu.memory_space<semaphore_mem>>
      %dma_start3A_90 = tpu.memref_squeeze %dma_start3A_89 : memref<1x!tpu.dma_semaphore, #tpu.memory_space<semaphore_mem>> -> memref<!tpu.dma_semaphore, #tpu.memory_space<semaphore_mem>>
      %dma_start3A_91 = tpu.memref_slice %arg4[%add3A_86] : memref<80740352xf32, #tpu.memory_space<hbm>> -> memref<8192xf32, #tpu.memory_space<hbm>>
      tpu.enqueue_dma source(%arg10 : memref<8192xf32, #tpu.memory_space<vmem>>) target(%dma_start3A_91 : memref<8192xf32, #tpu.memory_space<hbm>>) target_semaphore(%dma_start3A_90 : memref<!tpu.dma_semaphore, #tpu.memory_space<semaphore_mem>>)
      %add3A_92 = arith.constant 1 : i32
      %add3A_93 = arith.addi %add3A_66, %add3A_92 : i32
      %dma_wait3A_94 = arith.constant 1 : i32
      %dma_wait3A_95 = tpu.memref_slice %arg2[%mul3A_9] : memref<419430400xf32, #tpu.memory_space<hbm>> -> memref<16384xf32, #tpu.memory_space<hbm>>
      %dma_wait3A_96 = tpu.memref_slice %arg14[%dma_wait3A_94] : memref<4x!tpu.dma_semaphore, #tpu.memory_space<semaphore_mem>> -> memref<1x!tpu.dma_semaphore, #tpu.memory_space<semaphore_mem>>
      %dma_wait3A_97 = tpu.memref_squeeze %dma_wait3A_96 : memref<1x!tpu.dma_semaphore, #tpu.memory_space<semaphore_mem>> -> memref<!tpu.dma_semaphore, #tpu.memory_space<semaphore_mem>>
      %dma_wait3A_98 = tpu.memref_slice %arg2[%mul3A_9] : memref<419430400xf32, #tpu.memory_space<hbm>> -> memref<16384xf32, #tpu.memory_space<hbm>>
      tpu.wait_dma2 semaphore(%dma_wait3A_97 : memref<!tpu.dma_semaphore, #tpu.memory_space<semaphore_mem>>) src(%dma_wait3A_98 : memref<16384xf32, #tpu.memory_space<hbm>>) dst(%arg7 : memref<16384xf32, #tpu.memory_space<vmem>>)
      %ge3A_99 = arith.constant 4 : i32
      %ge3A_100 = arith.cmpi sge, %add3A_93, %ge3A_99 : i32
      %convert_element_type3A_101 = arith.extui %ge3A_100 : i1 to i32
      %cond3A_102 = arith.constant 0 : i32
      %cond3A_103 = arith.cmpi ne, %convert_element_type3A_101, %cond3A_102 : i32
      scf.if %cond3A_103 {
        %dma_wait3A_182 = arith.constant 1 : i32
        %dma_wait3A_183 = tpu.memref_slice %arg4[%mul3A_11] : memref<80740352xf32, #tpu.memory_space<hbm>> -> memref<8192xf32, #tpu.memory_space<hbm>>
        %dma_wait3A_184 = tpu.memref_slice %arg15[%dma_wait3A_182] : memref<4x!tpu.dma_semaphore, #tpu.memory_space<semaphore_mem>> -> memref<1x!tpu.dma_semaphore, #tpu.memory_space<semaphore_mem>>
        %dma_wait3A_185 = tpu.memref_squeeze %dma_wait3A_184 : memref<1x!tpu.dma_semaphore, #tpu.memory_space<semaphore_mem>> -> memref<!tpu.dma_semaphore, #tpu.memory_space<semaphore_mem>>
        %dma_wait3A_186 = tpu.memref_slice %arg4[%mul3A_11] : memref<80740352xf32, #tpu.memory_space<hbm>> -> memref<8192xf32, #tpu.memory_space<hbm>>
        tpu.wait_dma2 semaphore(%dma_wait3A_185 : memref<!tpu.dma_semaphore, #tpu.memory_space<semaphore_mem>>) src(%arg11 : memref<8192xf32, #tpu.memory_space<vmem>>) dst(%dma_wait3A_186 : memref<8192xf32, #tpu.memory_space<hbm>>)
      } else {
      }
      %parallel_loop3A_104 = arith.constant 0 : i32
      %parallel_loop3A_105 = arith.constant 128 : i32
      %parallel_loop3A_106 = arith.constant 1 : i32
      scf.for %parallel_loop3A_182 = %parallel_loop3A_104 to %parallel_loop3A_105 step %parallel_loop3A_106  : i32 {
        %parallel_loop3A_183 = arith.constant 128 : i32
        %parallel_loop3A_184 = arith.muli %parallel_loop3A_182, %parallel_loop3A_183 : i32
        %parallel_loop3A_185 = arith.constant 64 : i32
        %parallel_loop3A_186 = arith.muli %parallel_loop3A_182, %parallel_loop3A_185 : i32
        %parallel_loop3A_187 = vector.broadcast %parallel_loop3A_184 : i32 to vector<16xi32>
        %parallel_loop3A_188 = arith.addi %get3A_1, %parallel_loop3A_187 : vector<16xi32>
        %parallel_loop3A_189 = tpu.vector_load_idx %arg7[%parallel_loop3A_188] : memref<16384xf32, #tpu.memory_space<vmem>>[vector<16xi32>], vector<16xf32>,
        %parallel_loop3A_190 = arith.constant 0 : i32
        %parallel_loop3A_191 = arith.addi %parallel_loop3A_186, %parallel_loop3A_190 : i32
        %parallel_loop3A_192 = arith.index_cast %parallel_loop3A_191 : i32 to index
        %parallel_loop3A_193 = tpu.vector_load %arg11[%parallel_loop3A_192] {strides = array<i32>} : memref<8192xf32, #tpu.memory_space<vmem>>, vector<16xf32>,
        tpu.vector_store %arg11[%parallel_loop3A_192], %parallel_loop3A_189 {strides = array<i32>} : memref<8192xf32, #tpu.memory_space<vmem>>, vector<16xf32>,
        %parallel_loop3A_194 = vector.broadcast %parallel_loop3A_184 : i32 to vector<16xi32>
        %parallel_loop3A_195 = arith.addi %get3A_3, %parallel_loop3A_194 : vector<16xi32>
        %parallel_loop3A_196 = tpu.vector_load_idx %arg7[%parallel_loop3A_195] : memref<16384xf32, #tpu.memory_space<vmem>>[vector<16xi32>], vector<16xf32>,
        %parallel_loop3A_197 = arith.constant 16 : i32
        %parallel_loop3A_198 = arith.addi %parallel_loop3A_186, %parallel_loop3A_197 : i32
        %parallel_loop3A_199 = arith.index_cast %parallel_loop3A_198 : i32 to index
        %parallel_loop3A_200 = tpu.vector_load %arg11[%parallel_loop3A_199] {strides = array<i32>} : memref<8192xf32, #tpu.memory_space<vmem>>, vector<16xf32>,
        tpu.vector_store %arg11[%parallel_loop3A_199], %parallel_loop3A_196 {strides = array<i32>} : memref<8192xf32, #tpu.memory_space<vmem>>, vector<16xf32>,
        %parallel_loop3A_201 = vector.broadcast %parallel_loop3A_184 : i32 to vector<16xi32>
        %parallel_loop3A_202 = arith.addi %get3A_5, %parallel_loop3A_201 : vector<16xi32>
        %parallel_loop3A_203 = tpu.vector_load_idx %arg7[%parallel_loop3A_202] : memref<16384xf32, #tpu.memory_space<vmem>>[vector<16xi32>], vector<16xf32>,
        %parallel_loop3A_204 = arith.constant 32 : i32
        %parallel_loop3A_205 = arith.addi %parallel_loop3A_186, %parallel_loop3A_204 : i32
        %parallel_loop3A_206 = arith.index_cast %parallel_loop3A_205 : i32 to index
        %parallel_loop3A_207 = tpu.vector_load %arg11[%parallel_loop3A_206] {strides = array<i32>} : memref<8192xf32, #tpu.memory_space<vmem>>, vector<16xf32>,
        tpu.vector_store %arg11[%parallel_loop3A_206], %parallel_loop3A_203 {strides = array<i32>} : memref<8192xf32, #tpu.memory_space<vmem>>, vector<16xf32>,
        %parallel_loop3A_208 = vector.broadcast %parallel_loop3A_184 : i32 to vector<16xi32>
        %parallel_loop3A_209 = arith.addi %get3A_7, %parallel_loop3A_208 : vector<16xi32>
        %parallel_loop3A_210 = tpu.vector_load_idx %arg7[%parallel_loop3A_209] : memref<16384xf32, #tpu.memory_space<vmem>>[vector<16xi32>], vector<16xf32>,
        %parallel_loop3A_211 = arith.constant 48 : i32
        %parallel_loop3A_212 = arith.addi %parallel_loop3A_186, %parallel_loop3A_211 : i32
        %parallel_loop3A_213 = arith.index_cast %parallel_loop3A_212 : i32 to index
        %parallel_loop3A_214 = tpu.vector_load %arg11[%parallel_loop3A_213] {strides = array<i32>} : memref<8192xf32, #tpu.memory_space<vmem>>, vector<16xf32>,
        tpu.vector_store %arg11[%parallel_loop3A_213], %parallel_loop3A_210 {strides = array<i32>} : memref<8192xf32, #tpu.memory_space<vmem>>, vector<16xf32>,
      } {sc.loop_unroll_factor = 8 : i64, sc.parallel_access}
      %add3A_107 = arith.constant 4 : i32
      %add3A_108 = arith.addi %add3A_93, %add3A_107 : i32
      %lt3A_109 = arith.constant 308 : i32
      %lt3A_110 = arith.cmpi slt, %add3A_108, %lt3A_109 : i32
      %convert_element_type3A_111 = arith.extui %lt3A_110 : i1 to i32
      %cond3A_112 = arith.constant 0 : i32
      %cond3A_113 = arith.cmpi ne, %convert_element_type3A_111, %cond3A_112 : i32
      scf.if %cond3A_113 {
        %add3A_182 = arith.constant 4 : i32
        %add3A_183 = arith.addi %add3A_93, %add3A_182 : i32
        %mul3A_184 = arith.constant 16384 : i32
        %mul3A_185 = arith.muli %add3A_183, %mul3A_184 : i32
        %add3A_186 = arith.addi %mul3A_9, %mul3A_185 : i32
        %dma_start3A_187 = arith.constant 1 : i32
        %dma_start3A_188 = tpu.memref_slice %arg2[%add3A_186] : memref<419430400xf32, #tpu.memory_space<hbm>> -> memref<16384xf32, #tpu.memory_space<hbm>>
        %dma_start3A_189 = tpu.memref_slice %arg14[%dma_start3A_187] : memref<4x!tpu.dma_semaphore, #tpu.memory_space<semaphore_mem>> -> memref<1x!tpu.dma_semaphore, #tpu.memory_space<semaphore_mem>>
        %dma_start3A_190 = tpu.memref_squeeze %dma_start3A_189 : memref<1x!tpu.dma_semaphore, #tpu.memory_space<semaphore_mem>> -> memref<!tpu.dma_semaphore, #tpu.memory_space<semaphore_mem>>
        %dma_start3A_191 = tpu.memref_slice %arg2[%add3A_186] : memref<419430400xf32, #tpu.memory_space<hbm>> -> memref<16384xf32, #tpu.memory_space<hbm>>
        tpu.enqueue_dma source(%dma_start3A_191 : memref<16384xf32, #tpu.memory_space<hbm>>) target(%arg7 : memref<16384xf32, #tpu.memory_space<vmem>>) target_semaphore(%dma_start3A_190 : memref<!tpu.dma_semaphore, #tpu.memory_space<semaphore_mem>>)
      } else {
      }
      %mul3A_114 = arith.constant 8192 : i32
      %mul3A_115 = arith.muli %add3A_93, %mul3A_114 : i32
      %add3A_116 = arith.addi %mul3A_11, %mul3A_115 : i32
      %dma_start3A_117 = arith.constant 1 : i32
      %dma_start3A_118 = tpu.memref_slice %arg4[%add3A_116] : memref<80740352xf32, #tpu.memory_space<hbm>> -> memref<8192xf32, #tpu.memory_space<hbm>>
      %dma_start3A_119 = tpu.memref_slice %arg15[%dma_start3A_117] : memref<4x!tpu.dma_semaphore, #tpu.memory_space<semaphore_mem>> -> memref<1x!tpu.dma_semaphore, #tpu.memory_space<semaphore_mem>>
      %dma_start3A_120 = tpu.memref_squeeze %dma_start3A_119 : memref<1x!tpu.dma_semaphore, #tpu.memory_space<semaphore_mem>> -> memref<!tpu.dma_semaphore, #tpu.memory_space<semaphore_mem>>
      %dma_start3A_121 = tpu.memref_slice %arg4[%add3A_116] : memref<80740352xf32, #tpu.memory_space<hbm>> -> memref<8192xf32, #tpu.memory_space<hbm>>
      tpu.enqueue_dma source(%arg11 : memref<8192xf32, #tpu.memory_space<vmem>>) target(%dma_start3A_121 : memref<8192xf32, #tpu.memory_space<hbm>>) target_semaphore(%dma_start3A_120 : memref<!tpu.dma_semaphore, #tpu.memory_space<semaphore_mem>>)
      %add3A_122 = arith.constant 2 : i32
      %add3A_123 = arith.addi %add3A_66, %add3A_122 : i32
      %dma_wait3A_124 = arith.constant 2 : i32
      %dma_wait3A_125 = tpu.memref_slice %arg2[%mul3A_9] : memref<419430400xf32, #tpu.memory_space<hbm>> -> memref<16384xf32, #tpu.memory_space<hbm>>
      %dma_wait3A_126 = tpu.memref_slice %arg14[%dma_wait3A_124] : memref<4x!tpu.dma_semaphore, #tpu.memory_space<semaphore_mem>> -> memref<1x!tpu.dma_semaphore, #tpu.memory_space<semaphore_mem>>
      %dma_wait3A_127 = tpu.memref_squeeze %dma_wait3A_126 : memref<1x!tpu.dma_semaphore, #tpu.memory_space<semaphore_mem>> -> memref<!tpu.dma_semaphore, #tpu.memory_space<semaphore_mem>>
      %dma_wait3A_128 = tpu.memref_slice %arg2[%mul3A_9] : memref<419430400xf32, #tpu.memory_space<hbm>> -> memref<16384xf32, #tpu.memory_space<hbm>>
      tpu.wait_dma2 semaphore(%dma_wait3A_127 : memref<!tpu.dma_semaphore, #tpu.memory_space<semaphore_mem>>) src(%dma_wait3A_128 : memref<16384xf32, #tpu.memory_space<hbm>>) dst(%arg8 : memref<16384xf32, #tpu.memory_space<vmem>>)
      %ge3A_129 = arith.constant 4 : i32
      %ge3A_130 = arith.cmpi sge, %add3A_123, %ge3A_129 : i32
      %convert_element_type3A_131 = arith.extui %ge3A_130 : i1 to i32
      %cond3A_132 = arith.constant 0 : i32
      %cond3A_133 = arith.cmpi ne, %convert_element_type3A_131, %cond3A_132 : i32
      scf.if %cond3A_133 {
        %dma_wait3A_182 = arith.constant 2 : i32
        %dma_wait3A_183 = tpu.memref_slice %arg4[%mul3A_11] : memref<80740352xf32, #tpu.memory_space<hbm>> -> memref<8192xf32, #tpu.memory_space<hbm>>
        %dma_wait3A_184 = tpu.memref_slice %arg15[%dma_wait3A_182] : memref<4x!tpu.dma_semaphore, #tpu.memory_space<semaphore_mem>> -> memref<1x!tpu.dma_semaphore, #tpu.memory_space<semaphore_mem>>
        %dma_wait3A_185 = tpu.memref_squeeze %dma_wait3A_184 : memref<1x!tpu.dma_semaphore, #tpu.memory_space<semaphore_mem>> -> memref<!tpu.dma_semaphore, #tpu.memory_space<semaphore_mem>>
        %dma_wait3A_186 = tpu.memref_slice %arg4[%mul3A_11] : memref<80740352xf32, #tpu.memory_space<hbm>> -> memref<8192xf32, #tpu.memory_space<hbm>>
        tpu.wait_dma2 semaphore(%dma_wait3A_185 : memref<!tpu.dma_semaphore, #tpu.memory_space<semaphore_mem>>) src(%arg12 : memref<8192xf32, #tpu.memory_space<vmem>>) dst(%dma_wait3A_186 : memref<8192xf32, #tpu.memory_space<hbm>>)
      } else {
      }
      %parallel_loop3A_134 = arith.constant 0 : i32
      %parallel_loop3A_135 = arith.constant 128 : i32
      %parallel_loop3A_136 = arith.constant 1 : i32
      scf.for %parallel_loop3A_182 = %parallel_loop3A_134 to %parallel_loop3A_135 step %parallel_loop3A_136  : i32 {
        %parallel_loop3A_183 = arith.constant 128 : i32
        %parallel_loop3A_184 = arith.muli %parallel_loop3A_182, %parallel_loop3A_183 : i32
        %parallel_loop3A_185 = arith.constant 64 : i32
        %parallel_loop3A_186 = arith.muli %parallel_loop3A_182, %parallel_loop3A_185 : i32
        %parallel_loop3A_187 = vector.broadcast %parallel_loop3A_184 : i32 to vector<16xi32>
        %parallel_loop3A_188 = arith.addi %get3A_1, %parallel_loop3A_187 : vector<16xi32>
        %parallel_loop3A_189 = tpu.vector_load_idx %arg8[%parallel_loop3A_188] : memref<16384xf32, #tpu.memory_space<vmem>>[vector<16xi32>], vector<16xf32>,
        %parallel_loop3A_190 = arith.constant 0 : i32
        %parallel_loop3A_191 = arith.addi %parallel_loop3A_186, %parallel_loop3A_190 : i32
        %parallel_loop3A_192 = arith.index_cast %parallel_loop3A_191 : i32 to index
        %parallel_loop3A_193 = tpu.vector_load %arg12[%parallel_loop3A_192] {strides = array<i32>} : memref<8192xf32, #tpu.memory_space<vmem>>, vector<16xf32>,
        tpu.vector_store %arg12[%parallel_loop3A_192], %parallel_loop3A_189 {strides = array<i32>} : memref<8192xf32, #tpu.memory_space<vmem>>, vector<16xf32>,
        %parallel_loop3A_194 = vector.broadcast %parallel_loop3A_184 : i32 to vector<16xi32>
        %parallel_loop3A_195 = arith.addi %get3A_3, %parallel_loop3A_194 : vector<16xi32>
        %parallel_loop3A_196 = tpu.vector_load_idx %arg8[%parallel_loop3A_195] : memref<16384xf32, #tpu.memory_space<vmem>>[vector<16xi32>], vector<16xf32>,
        %parallel_loop3A_197 = arith.constant 16 : i32
        %parallel_loop3A_198 = arith.addi %parallel_loop3A_186, %parallel_loop3A_197 : i32
        %parallel_loop3A_199 = arith.index_cast %parallel_loop3A_198 : i32 to index
        %parallel_loop3A_200 = tpu.vector_load %arg12[%parallel_loop3A_199] {strides = array<i32>} : memref<8192xf32, #tpu.memory_space<vmem>>, vector<16xf32>,
        tpu.vector_store %arg12[%parallel_loop3A_199], %parallel_loop3A_196 {strides = array<i32>} : memref<8192xf32, #tpu.memory_space<vmem>>, vector<16xf32>,
        %parallel_loop3A_201 = vector.broadcast %parallel_loop3A_184 : i32 to vector<16xi32>
        %parallel_loop3A_202 = arith.addi %get3A_5, %parallel_loop3A_201 : vector<16xi32>
        %parallel_loop3A_203 = tpu.vector_load_idx %arg8[%parallel_loop3A_202] : memref<16384xf32, #tpu.memory_space<vmem>>[vector<16xi32>], vector<16xf32>,
        %parallel_loop3A_204 = arith.constant 32 : i32
        %parallel_loop3A_205 = arith.addi %parallel_loop3A_186, %parallel_loop3A_204 : i32
        %parallel_loop3A_206 = arith.index_cast %parallel_loop3A_205 : i32 to index
        %parallel_loop3A_207 = tpu.vector_load %arg12[%parallel_loop3A_206] {strides = array<i32>} : memref<8192xf32, #tpu.memory_space<vmem>>, vector<16xf32>,
        tpu.vector_store %arg12[%parallel_loop3A_206], %parallel_loop3A_203 {strides = array<i32>} : memref<8192xf32, #tpu.memory_space<vmem>>, vector<16xf32>,
        %parallel_loop3A_208 = vector.broadcast %parallel_loop3A_184 : i32 to vector<16xi32>
        %parallel_loop3A_209 = arith.addi %get3A_7, %parallel_loop3A_208 : vector<16xi32>
        %parallel_loop3A_210 = tpu.vector_load_idx %arg8[%parallel_loop3A_209] : memref<16384xf32, #tpu.memory_space<vmem>>[vector<16xi32>], vector<16xf32>,
        %parallel_loop3A_211 = arith.constant 48 : i32
        %parallel_loop3A_212 = arith.addi %parallel_loop3A_186, %parallel_loop3A_211 : i32
        %parallel_loop3A_213 = arith.index_cast %parallel_loop3A_212 : i32 to index
        %parallel_loop3A_214 = tpu.vector_load %arg12[%parallel_loop3A_213] {strides = array<i32>} : memref<8192xf32, #tpu.memory_space<vmem>>, vector<16xf32>,
        tpu.vector_store %arg12[%parallel_loop3A_213], %parallel_loop3A_210 {strides = array<i32>} : memref<8192xf32, #tpu.memory_space<vmem>>, vector<16xf32>,
      } {sc.loop_unroll_factor = 8 : i64, sc.parallel_access}
      %add3A_137 = arith.constant 4 : i32
      %add3A_138 = arith.addi %add3A_123, %add3A_137 : i32
      %lt3A_139 = arith.constant 308 : i32
      %lt3A_140 = arith.cmpi slt, %add3A_138, %lt3A_139 : i32
      %convert_element_type3A_141 = arith.extui %lt3A_140 : i1 to i32
      %cond3A_142 = arith.constant 0 : i32
      %cond3A_143 = arith.cmpi ne, %convert_element_type3A_141, %cond3A_142 : i32
      scf.if %cond3A_143 {
        %add3A_182 = arith.constant 4 : i32
        %add3A_183 = arith.addi %add3A_123, %add3A_182 : i32
        %mul3A_184 = arith.constant 16384 : i32
        %mul3A_185 = arith.muli %add3A_183, %mul3A_184 : i32
        %add3A_186 = arith.addi %mul3A_9, %mul3A_185 : i32
        %dma_start3A_187 = arith.constant 2 : i32
        %dma_start3A_188 = tpu.memref_slice %arg2[%add3A_186] : memref<419430400xf32, #tpu.memory_space<hbm>> -> memref<16384xf32, #tpu.memory_space<hbm>>
        %dma_start3A_189 = tpu.memref_slice %arg14[%dma_start3A_187] : memref<4x!tpu.dma_semaphore, #tpu.memory_space<semaphore_mem>> -> memref<1x!tpu.dma_semaphore, #tpu.memory_space<semaphore_mem>>
        %dma_start3A_190 = tpu.memref_squeeze %dma_start3A_189 : memref<1x!tpu.dma_semaphore, #tpu.memory_space<semaphore_mem>> -> memref<!tpu.dma_semaphore, #tpu.memory_space<semaphore_mem>>
        %dma_start3A_191 = tpu.memref_slice %arg2[%add3A_186] : memref<419430400xf32, #tpu.memory_space<hbm>> -> memref<16384xf32, #tpu.memory_space<hbm>>
        tpu.enqueue_dma source(%dma_start3A_191 : memref<16384xf32, #tpu.memory_space<hbm>>) target(%arg8 : memref<16384xf32, #tpu.memory_space<vmem>>) target_semaphore(%dma_start3A_190 : memref<!tpu.dma_semaphore, #tpu.memory_space<semaphore_mem>>)
      } else {
      }
      %mul3A_144 = arith.constant 8192 : i32
      %mul3A_145 = arith.muli %add3A_123, %mul3A_144 : i32
      %add3A_146 = arith.addi %mul3A_11, %mul3A_145 : i32
      %dma_start3A_147 = arith.constant 2 : i32
      %dma_start3A_148 = tpu.memref_slice %arg4[%add3A_146] : memref<80740352xf32, #tpu.memory_space<hbm>> -> memref<8192xf32, #tpu.memory_space<hbm>>
      %dma_start3A_149 = tpu.memref_slice %arg15[%dma_start3A_147] : memref<4x!tpu.dma_semaphore, #tpu.memory_space<semaphore_mem>> -> memref<1x!tpu.dma_semaphore, #tpu.memory_space<semaphore_mem>>
      %dma_start3A_150 = tpu.memref_squeeze %dma_start3A_149 : memref<1x!tpu.dma_semaphore, #tpu.memory_space<semaphore_mem>> -> memref<!tpu.dma_semaphore, #tpu.memory_space<semaphore_mem>>
      %dma_start3A_151 = tpu.memref_slice %arg4[%add3A_146] : memref<80740352xf32, #tpu.memory_space<hbm>> -> memref<8192xf32, #tpu.memory_space<hbm>>
      tpu.enqueue_dma source(%arg12 : memref<8192xf32, #tpu.memory_space<vmem>>) target(%dma_start3A_151 : memref<8192xf32, #tpu.memory_space<hbm>>) target_semaphore(%dma_start3A_150 : memref<!tpu.dma_semaphore, #tpu.memory_space<semaphore_mem>>)
      %add3A_152 = arith.constant 3 : i32
      %add3A_153 = arith.addi %add3A_66, %add3A_152 : i32
      %dma_wait3A_154 = arith.constant 3 : i32
      %dma_wait3A_155 = tpu.memref_slice %arg2[%mul3A_9] : memref<419430400xf32, #tpu.memory_space<hbm>> -> memref<16384xf32, #tpu.memory_space<hbm>>
      %dma_wait3A_156 = tpu.memref_slice %arg14[%dma_wait3A_154] : memref<4x!tpu.dma_semaphore, #tpu.memory_space<semaphore_mem>> -> memref<1x!tpu.dma_semaphore, #tpu.memory_space<semaphore_mem>>
      %dma_wait3A_157 = tpu.memref_squeeze %dma_wait3A_156 : memref<1x!tpu.dma_semaphore, #tpu.memory_space<semaphore_mem>> -> memref<!tpu.dma_semaphore, #tpu.memory_space<semaphore_mem>>
      %dma_wait3A_158 = tpu.memref_slice %arg2[%mul3A_9] : memref<419430400xf32, #tpu.memory_space<hbm>> -> memref<16384xf32, #tpu.memory_space<hbm>>
      tpu.wait_dma2 semaphore(%dma_wait3A_157 : memref<!tpu.dma_semaphore, #tpu.memory_space<semaphore_mem>>) src(%dma_wait3A_158 : memref<16384xf32, #tpu.memory_space<hbm>>) dst(%arg9 : memref<16384xf32, #tpu.memory_space<vmem>>)
      %ge3A_159 = arith.constant 4 : i32
      %ge3A_160 = arith.cmpi sge, %add3A_153, %ge3A_159 : i32
      %convert_element_type3A_161 = arith.extui %ge3A_160 : i1 to i32
      %cond3A_162 = arith.constant 0 : i32
      %cond3A_163 = arith.cmpi ne, %convert_element_type3A_161, %cond3A_162 : i32
      scf.if %cond3A_163 {
        %dma_wait3A_182 = arith.constant 3 : i32
        %dma_wait3A_183 = tpu.memref_slice %arg4[%mul3A_11] : memref<80740352xf32, #tpu.memory_space<hbm>> -> memref<8192xf32, #tpu.memory_space<hbm>>
        %dma_wait3A_184 = tpu.memref_slice %arg15[%dma_wait3A_182] : memref<4x!tpu.dma_semaphore, #tpu.memory_space<semaphore_mem>> -> memref<1x!tpu.dma_semaphore, #tpu.memory_space<semaphore_mem>>
        %dma_wait3A_185 = tpu.memref_squeeze %dma_wait3A_184 : memref<1x!tpu.dma_semaphore, #tpu.memory_space<semaphore_mem>> -> memref<!tpu.dma_semaphore, #tpu.memory_space<semaphore_mem>>
        %dma_wait3A_186 = tpu.memref_slice %arg4[%mul3A_11] : memref<80740352xf32, #tpu.memory_space<hbm>> -> memref<8192xf32, #tpu.memory_space<hbm>>
        tpu.wait_dma2 semaphore(%dma_wait3A_185 : memref<!tpu.dma_semaphore, #tpu.memory_space<semaphore_mem>>) src(%arg13 : memref<8192xf32, #tpu.memory_space<vmem>>) dst(%dma_wait3A_186 : memref<8192xf32, #tpu.memory_space<hbm>>)
      } else {
      }
      %parallel_loop3A_164 = arith.constant 0 : i32
      %parallel_loop3A_165 = arith.constant 128 : i32
      %parallel_loop3A_166 = arith.constant 1 : i32
      scf.for %parallel_loop3A_182 = %parallel_loop3A_164 to %parallel_loop3A_165 step %parallel_loop3A_166  : i32 {
        %parallel_loop3A_183 = arith.constant 128 : i32
        %parallel_loop3A_184 = arith.muli %parallel_loop3A_182, %parallel_loop3A_183 : i32
        %parallel_loop3A_185 = arith.constant 64 : i32
        %parallel_loop3A_186 = arith.muli %parallel_loop3A_182, %parallel_loop3A_185 : i32
        %parallel_loop3A_187 = vector.broadcast %parallel_loop3A_184 : i32 to vector<16xi32>
        %parallel_loop3A_188 = arith.addi %get3A_1, %parallel_loop3A_187 : vector<16xi32>
        %parallel_loop3A_189 = tpu.vector_load_idx %arg9[%parallel_loop3A_188] : memref<16384xf32, #tpu.memory_space<vmem>>[vector<16xi32>], vector<16xf32>,
        %parallel_loop3A_190 = arith.constant 0 : i32
        %parallel_loop3A_191 = arith.addi %parallel_loop3A_186, %parallel_loop3A_190 : i32
        %parallel_loop3A_192 = arith.index_cast %parallel_loop3A_191 : i32 to index
        %parallel_loop3A_193 = tpu.vector_load %arg13[%parallel_loop3A_192] {strides = array<i32>} : memref<8192xf32, #tpu.memory_space<vmem>>, vector<16xf32>,
        tpu.vector_store %arg13[%parallel_loop3A_192], %parallel_loop3A_189 {strides = array<i32>} : memref<8192xf32, #tpu.memory_space<vmem>>, vector<16xf32>,
        %parallel_loop3A_194 = vector.broadcast %parallel_loop3A_184 : i32 to vector<16xi32>
        %parallel_loop3A_195 = arith.addi %get3A_3, %parallel_loop3A_194 : vector<16xi32>
        %parallel_loop3A_196 = tpu.vector_load_idx %arg9[%parallel_loop3A_195] : memref<16384xf32, #tpu.memory_space<vmem>>[vector<16xi32>], vector<16xf32>,
        %parallel_loop3A_197 = arith.constant 16 : i32
        %parallel_loop3A_198 = arith.addi %parallel_loop3A_186, %parallel_loop3A_197 : i32
        %parallel_loop3A_199 = arith.index_cast %parallel_loop3A_198 : i32 to index
        %parallel_loop3A_200 = tpu.vector_load %arg13[%parallel_loop3A_199] {strides = array<i32>} : memref<8192xf32, #tpu.memory_space<vmem>>, vector<16xf32>,
        tpu.vector_store %arg13[%parallel_loop3A_199], %parallel_loop3A_196 {strides = array<i32>} : memref<8192xf32, #tpu.memory_space<vmem>>, vector<16xf32>,
        %parallel_loop3A_201 = vector.broadcast %parallel_loop3A_184 : i32 to vector<16xi32>
        %parallel_loop3A_202 = arith.addi %get3A_5, %parallel_loop3A_201 : vector<16xi32>
        %parallel_loop3A_203 = tpu.vector_load_idx %arg9[%parallel_loop3A_202] : memref<16384xf32, #tpu.memory_space<vmem>>[vector<16xi32>], vector<16xf32>,
        %parallel_loop3A_204 = arith.constant 32 : i32
        %parallel_loop3A_205 = arith.addi %parallel_loop3A_186, %parallel_loop3A_204 : i32
        %parallel_loop3A_206 = arith.index_cast %parallel_loop3A_205 : i32 to index
        %parallel_loop3A_207 = tpu.vector_load %arg13[%parallel_loop3A_206] {strides = array<i32>} : memref<8192xf32, #tpu.memory_space<vmem>>, vector<16xf32>,
        tpu.vector_store %arg13[%parallel_loop3A_206], %parallel_loop3A_203 {strides = array<i32>} : memref<8192xf32, #tpu.memory_space<vmem>>, vector<16xf32>,
        %parallel_loop3A_208 = vector.broadcast %parallel_loop3A_184 : i32 to vector<16xi32>
        %parallel_loop3A_209 = arith.addi %get3A_7, %parallel_loop3A_208 : vector<16xi32>
        %parallel_loop3A_210 = tpu.vector_load_idx %arg9[%parallel_loop3A_209] : memref<16384xf32, #tpu.memory_space<vmem>>[vector<16xi32>], vector<16xf32>,
        %parallel_loop3A_211 = arith.constant 48 : i32
        %parallel_loop3A_212 = arith.addi %parallel_loop3A_186, %parallel_loop3A_211 : i32
        %parallel_loop3A_213 = arith.index_cast %parallel_loop3A_212 : i32 to index
        %parallel_loop3A_214 = tpu.vector_load %arg13[%parallel_loop3A_213] {strides = array<i32>} : memref<8192xf32, #tpu.memory_space<vmem>>, vector<16xf32>,
        tpu.vector_store %arg13[%parallel_loop3A_213], %parallel_loop3A_210 {strides = array<i32>} : memref<8192xf32, #tpu.memory_space<vmem>>, vector<16xf32>,
      } {sc.loop_unroll_factor = 8 : i64, sc.parallel_access}
      %add3A_167 = arith.constant 4 : i32
      %add3A_168 = arith.addi %add3A_153, %add3A_167 : i32
      %lt3A_169 = arith.constant 308 : i32
      %lt3A_170 = arith.cmpi slt, %add3A_168, %lt3A_169 : i32
      %convert_element_type3A_171 = arith.extui %lt3A_170 : i1 to i32
      %cond3A_172 = arith.constant 0 : i32
      %cond3A_173 = arith.cmpi ne, %convert_element_type3A_171, %cond3A_172 : i32
      scf.if %cond3A_173 {
        %add3A_182 = arith.constant 4 : i32
        %add3A_183 = arith.addi %add3A_153, %add3A_182 : i32
        %mul3A_184 = arith.constant 16384 : i32
        %mul3A_185 = arith.muli %add3A_183, %mul3A_184 : i32
        %add3A_186 = arith.addi %mul3A_9, %mul3A_185 : i32
        %dma_start3A_187 = arith.constant 3 : i32
        %dma_start3A_188 = tpu.memref_slice %arg2[%add3A_186] : memref<419430400xf32, #tpu.memory_space<hbm>> -> memref<16384xf32, #tpu.memory_space<hbm>>
        %dma_start3A_189 = tpu.memref_slice %arg14[%dma_start3A_187] : memref<4x!tpu.dma_semaphore, #tpu.memory_space<semaphore_mem>> -> memref<1x!tpu.dma_semaphore, #tpu.memory_space<semaphore_mem>>
        %dma_start3A_190 = tpu.memref_squeeze %dma_start3A_189 : memref<1x!tpu.dma_semaphore, #tpu.memory_space<semaphore_mem>> -> memref<!tpu.dma_semaphore, #tpu.memory_space<semaphore_mem>>
        %dma_start3A_191 = tpu.memref_slice %arg2[%add3A_186] : memref<419430400xf32, #tpu.memory_space<hbm>> -> memref<16384xf32, #tpu.memory_space<hbm>>
        tpu.enqueue_dma source(%dma_start3A_191 : memref<16384xf32, #tpu.memory_space<hbm>>) target(%arg9 : memref<16384xf32, #tpu.memory_space<vmem>>) target_semaphore(%dma_start3A_190 : memref<!tpu.dma_semaphore, #tpu.memory_space<semaphore_mem>>)
      } else {
      }
      %mul3A_174 = arith.constant 8192 : i32
      %mul3A_175 = arith.muli %add3A_153, %mul3A_174 : i32
      %add3A_176 = arith.addi %mul3A_11, %mul3A_175 : i32
      %dma_start3A_177 = arith.constant 3 : i32
      %dma_start3A_178 = tpu.memref_slice %arg4[%add3A_176] : memref<80740352xf32, #tpu.memory_space<hbm>> -> memref<8192xf32, #tpu.memory_space<hbm>>
      %dma_start3A_179 = tpu.memref_slice %arg15[%dma_start3A_177] : memref<4x!tpu.dma_semaphore, #tpu.memory_space<semaphore_mem>> -> memref<1x!tpu.dma_semaphore, #tpu.memory_space<semaphore_mem>>
      %dma_start3A_180 = tpu.memref_squeeze %dma_start3A_179 : memref<1x!tpu.dma_semaphore, #tpu.memory_space<semaphore_mem>> -> memref<!tpu.dma_semaphore, #tpu.memory_space<semaphore_mem>>
      %dma_start3A_181 = tpu.memref_slice %arg4[%add3A_176] : memref<80740352xf32, #tpu.memory_space<hbm>> -> memref<8192xf32, #tpu.memory_space<hbm>>
      tpu.enqueue_dma source(%arg13 : memref<8192xf32, #tpu.memory_space<vmem>>) target(%dma_start3A_181 : memref<8192xf32, #tpu.memory_space<hbm>>) target_semaphore(%dma_start3A_180 : memref<!tpu.dma_semaphore, #tpu.memory_space<semaphore_mem>>)
    }
    %scan3A_42 = arith.constant 77 : i32
    %dma_wait3A = arith.constant 0 : i32
    %dma_wait3A_43 = tpu.memref_slice %arg4[%mul3A_11] : memref<80740352xf32, #tpu.memory_space<hbm>> -> memref<8192xf32, #tpu.memory_space<hbm>>
    %dma_wait3A_44 = tpu.memref_slice %arg15[%dma_wait3A] : memref<4x!tpu.dma_semaphore, #tpu.memory_space<semaphore_mem>> -> memref<1x!tpu.dma_semaphore, #tpu.memory_space<semaphore_mem>>
    %dma_wait3A_45 = tpu.memref_squeeze %dma_wait3A_44 : memref<1x!tpu.dma_semaphore, #tpu.memory_space<semaphore_mem>> -> memref<!tpu.dma_semaphore, #tpu.memory_space<semaphore_mem>>
    %dma_wait3A_46 = tpu.memref_slice %arg4[%mul3A_11] : memref<80740352xf32, #tpu.memory_space<hbm>> -> memref<8192xf32, #tpu.memory_space<hbm>>
    tpu.wait_dma2 semaphore(%dma_wait3A_45 : memref<!tpu.dma_semaphore, #tpu.memory_space<semaphore_mem>>) src(%arg10 : memref<8192xf32, #tpu.memory_space<vmem>>) dst(%dma_wait3A_46 : memref<8192xf32, #tpu.memory_space<hbm>>)
    %dma_wait3A_47 = arith.constant 1 : i32
    %dma_wait3A_48 = tpu.memref_slice %arg4[%mul3A_11] : memref<80740352xf32, #tpu.memory_space<hbm>> -> memref<8192xf32, #tpu.memory_space<hbm>>
    %dma_wait3A_49 = tpu.memref_slice %arg15[%dma_wait3A_47] : memref<4x!tpu.dma_semaphore, #tpu.memory_space<semaphore_mem>> -> memref<1x!tpu.dma_semaphore, #tpu.memory_space<semaphore_mem>>
    %dma_wait3A_50 = tpu.memref_squeeze %dma_wait3A_49 : memref<1x!tpu.dma_semaphore, #tpu.memory_space<semaphore_mem>> -> memref<!tpu.dma_semaphore, #tpu.memory_space<semaphore_mem>>
    %dma_wait3A_51 = tpu.memref_slice %arg4[%mul3A_11] : memref<80740352xf32, #tpu.memory_space<hbm>> -> memref<8192xf32, #tpu.memory_space<hbm>>
    tpu.wait_dma2 semaphore(%dma_wait3A_50 : memref<!tpu.dma_semaphore, #tpu.memory_space<semaphore_mem>>) src(%arg11 : memref<8192xf32, #tpu.memory_space<vmem>>) dst(%dma_wait3A_51 : memref<8192xf32, #tpu.memory_space<hbm>>)
    %dma_wait3A_52 = arith.constant 2 : i32
    %dma_wait3A_53 = tpu.memref_slice %arg4[%mul3A_11] : memref<80740352xf32, #tpu.memory_space<hbm>> -> memref<8192xf32, #tpu.memory_space<hbm>>
    %dma_wait3A_54 = tpu.memref_slice %arg15[%dma_wait3A_52] : memref<4x!tpu.dma_semaphore, #tpu.memory_space<semaphore_mem>> -> memref<1x!tpu.dma_semaphore, #tpu.memory_space<semaphore_mem>>
    %dma_wait3A_55 = tpu.memref_squeeze %dma_wait3A_54 : memref<1x!tpu.dma_semaphore, #tpu.memory_space<semaphore_mem>> -> memref<!tpu.dma_semaphore, #tpu.memory_space<semaphore_mem>>
    %dma_wait3A_56 = tpu.memref_slice %arg4[%mul3A_11] : memref<80740352xf32, #tpu.memory_space<hbm>> -> memref<8192xf32, #tpu.memory_space<hbm>>
    tpu.wait_dma2 semaphore(%dma_wait3A_55 : memref<!tpu.dma_semaphore, #tpu.memory_space<semaphore_mem>>) src(%arg12 : memref<8192xf32, #tpu.memory_space<vmem>>) dst(%dma_wait3A_56 : memref<8192xf32, #tpu.memory_space<hbm>>)
    %dma_wait3A_57 = arith.constant 3 : i32
    %dma_wait3A_58 = tpu.memref_slice %arg4[%mul3A_11] : memref<80740352xf32, #tpu.memory_space<hbm>> -> memref<8192xf32, #tpu.memory_space<hbm>>
    %dma_wait3A_59 = tpu.memref_slice %arg15[%dma_wait3A_57] : memref<4x!tpu.dma_semaphore, #tpu.memory_space<semaphore_mem>> -> memref<1x!tpu.dma_semaphore, #tpu.memory_space<semaphore_mem>>
    %dma_wait3A_60 = tpu.memref_squeeze %dma_wait3A_59 : memref<1x!tpu.dma_semaphore, #tpu.memory_space<semaphore_mem>> -> memref<!tpu.dma_semaphore, #tpu.memory_space<semaphore_mem>>
    %dma_wait3A_61 = tpu.memref_slice %arg4[%mul3A_11] : memref<80740352xf32, #tpu.memory_space<hbm>> -> memref<8192xf32, #tpu.memory_space<hbm>>
    tpu.wait_dma2 semaphore(%dma_wait3A_60 : memref<!tpu.dma_semaphore, #tpu.memory_space<semaphore_mem>>) src(%arg13 : memref<8192xf32, #tpu.memory_space<vmem>>) dst(%dma_wait3A_61 : memref<8192xf32, #tpu.memory_space<hbm>>)
    return
  }
}

module attributes {stable_mosaic.version = 14 : i64} {
  func.func @_tc_body2(%arg0: i32, %arg1: memref<1x1x64xi32, #tpu.memory_space<vmem>>, %arg2: memref<8192x128xf32, #tpu.memory_space<vmem>>, %arg3: memref<8192x64xf32, #tpu.memory_space<vmem>>) attributes {dimension_semantics = [#tpu.dimension_semantics<arbitrary>], iteration_bounds = array<i64: 246>, scalar_prefetch = 0 : i64, scratch_operands = 0 : i64, tpu.core_type = #tpu.core_type<tc>, window_params = [{pipeline_mode = #tpu.pipeline_mode<synchronous>, transform_indices = @transform_0, window_bounds = array<i64: 1, 1, 64>}, {transform_indices = @transform_1, window_bounds = array<i64: 8192, 128>}, {transform_indices = @transform_2, window_bounds = array<i64: 8192, 64>}]} {
    %get3A = arith.constant 0 : index
    %get3A_0 = arith.constant 0 : index
    %get3A_1 = arith.constant 0 : index
    %get3A_2 = vector.load %arg1[%get3A, %get3A_0, %get3A_1] : memref<1x1x64xi32, #tpu.memory_space<vmem>>, vector<1x1x64xi32>
    %get3A_3 = vector.shape_cast %get3A_2 : vector<1x1x64xi32> to vector<64xi32>
    %broadcast_in_dim3A = vector.shape_cast %get3A_3 : vector<64xi32> to vector<1x64xi32>
    %broadcast_in_dim3A_4 = vector.shape_cast %broadcast_in_dim3A : vector<1x64xi32> to vector<1x64xi32>
    %broadcast_in_dim3A_5 = vector.broadcast %broadcast_in_dim3A_4 : vector<1x64xi32> to vector<8192x64xi32>
    %get3A_6 = arith.constant 0 : index
    %get3A_7 = arith.constant 0 : index
    %get3A_8 = vector.load %arg2[%get3A_6, %get3A_7] : memref<8192x128xf32, #tpu.memory_space<vmem>>, vector<8192x128xf32>
    %lt3A = arith.constant 0 : i32
    %lt3A_9 = vector.broadcast %lt3A : i32 to vector<8192x64xi32>
    %lt3A_10 = arith.cmpi slt, %broadcast_in_dim3A_5, %lt3A_9 : vector<8192x64xi32>
    %add3A = arith.constant 128 : i32
    %add3A_11 = vector.broadcast %add3A : i32 to vector<8192x64xi32>
    %add3A_12 = arith.addi %broadcast_in_dim3A_5, %add3A_11 : vector<8192x64xi32>
    %select_n3A = arith.select %lt3A_10, %add3A_12, %broadcast_in_dim3A_5 : vector<8192x64xi1>, vector<8192x64xi32>
    %reshape3A = vector.shape_cast %select_n3A : vector<8192x64xi32> to vector<8192x64x1xi32>
    %gather3A = vector.shape_cast %reshape3A : vector<8192x64x1xi32> to vector<8192x64xi32>
    %gather3A_13 = tpu.dynamic_gather %get3A_8[%gather3A] in [1] : vector<8192x128xf32>, vector<8192x64xi32> -> vector<8192x64xf32>
    %swap3A = arith.constant 0 : index
    %swap3A_14 = arith.constant 0 : index
    %swap3A_15 = vector.load %arg3[%swap3A, %swap3A_14] : memref<8192x64xf32, #tpu.memory_space<vmem>>, vector<8192x64xf32>
    tpu.vector_store %arg3[%swap3A, %swap3A_14], %gather3A_13 {strides = array<i32>} : memref<8192x64xf32, #tpu.memory_space<vmem>>, vector<8192x64xf32>,
    return
  }
  func.func @transform_0(%arg0: i32) -> (i32, i32, i32) {
    %c0_i32 = arith.constant 0 : i32
    %c0_i32_0 = arith.constant 0 : i32
    %c0_i32_1 = arith.constant 0 : i32
    %c0_i32_2 = arith.constant 0 : i32
    return %c0_i32, %c0_i32_0, %c0_i32_1 : i32, i32, i32
  }
  func.func @transform_1(%arg0: i32) -> (i32, i32) {
    %add3A = arith.constant 154 : i32
    %add3A_0 = arith.addi %add3A, %arg0 : i32
    %c0_i32 = arith.constant 0 : i32
    %c0_i32_1 = arith.constant 0 : i32
    return %add3A_0, %c0_i32 : i32, i32
  }
  func.func @transform_2(%arg0: i32) -> (i32, i32) {
    %add3A = arith.constant 154 : i32
    %add3A_0 = arith.addi %add3A, %arg0 : i32
    %c0_i32 = arith.constant 0 : i32
    %c0_i32_1 = arith.constant 0 : i32
    return %add3A_0, %c0_i32 : i32, i32
  }
}

</mosaic_0001>

<sc_bundles>
// kernel: kernel.4.cloned.1.call-start
scs
__scs_entry_jumppad:
0x0: {  	(pc) =	sbr.rel $0x88, $3  }
0x1: {  	(tag) =	ssettag $0x0;
	lr =	simm.s32 $0x1  }
0x2: {  	[smem:$0x3F9F] =	sst lr;
	_ =	strace $0xD0000000  }
0x3: {  	_ = 	snop  }
0x4: {  	_ = 	snop  }
0x5: {  	_ = 	snop  }
0x6: {  	_ = 	snop  }
0x7: {  	_ = 	snop  }
__scs_overlays_trampoline_lowered:
0x8: {  	[smem:$0x3FAE] =	sst s0  }
0x9: {  	[smem:$0x3FAF] =	sst s1  }
0xa: {  	[smem:$0x3FB0] =	sst s2  }
0xb: {  	[smem:$0x3FB1] =	sst s3  }
0xc: {  	[smem:$0x3FB2] =	sst s4  }
0xd: {  	[smem:$0x3FB3] =	sst s5  }
0xe: {  	[smem:$0x3FB4] =	sst s6  }
0xf: {  	[smem:$0x3FB5] =	sst s7  }
0x10: {  	[smem:$0x3FB6] =	sst s8  }
0x11: {  	[smem:$0x3FB7] =	sst s9;
	s0 =	simm.s32 @!p0 $0x0  }
0x12: {  	s1 =	sld [smem:$0x3F9D];
	s0 =	simm.s32 @p0 $0x1  }
0x13: {  	[smem:$0x3FB8] =	sst s0;
	s0 =	simm.s32 @!p1 $0x0  }
0x14: {  	s2 =	sld [smem:$0x3F9C];
	s0 =	simm.s32 @p1 $0x1  }
0x15: {  	[smem:$0x3FB9] =	sst s0;
	s0 =	simm.s32 @!p2 $0x0  }
0x16: {  	s3 =	sld [smem:$0x3FDB];
	s0 =	simm.s32 @p2 $0x1  }
0x17: {  	s4 =	simm.s32 $0x1BF5;
	[smem:$0x3FBB] =	sst s0  }
0x18: {  	s0 =	sld [smem:$0x3F9E];
	_ =	swait.ge [sflag:s4], $0x0  }
0x19: {  	s7 =	sld [smem:$0x3F9F]  }
0x1a: {  	s8 =	sadd.s32 $0xFFFFE003, lr  }
0x1b: {  	s9 =	sadd.s32 $0xFFFFFEF7, lr;
	s5 =	simm.s32 $0xFFFFFFFF;
	p2 =	slt.u32 s8, $0xFFFFF086  }
0x1c: {  	p1 =	slt.u32 s9, $0xF7A;
	s5 =	simm.s32 @!p2 $0x0  }
0x1d: {  	s5 =	simm.s32 @p1 $0x1;
	p0 =	seq.s32 s7, s2  }
0x1e: {  	s7 =	smul.u32 @!p0 $0xF7A, s2;
	p2 =	seq.s32 @!p0 s5, $0x0  }
0x1f: {  	s9 =	smul.u32 $0xF7A, s1;
	s8 =	simm.s32 @!p0 $0x1BF5;
	p2 =	por !p2, p0  }
0x20: {  	[sflag:s8] =	ssyncset.s32 @!p0 $0xFFFFF086;
	s6 =	sadd.s32 @!p0 s3, s7;
	s7 =	simm.s32 @!p0 $0x108  }
0x21: {  	s3 =	sadd.s32 s3, s9;
	s6 =	sadd.s32 @!p0 $0x88, s6;
	s7 =	simm.s32 @p2 $0x1082  }
0x22: {  	[simem:s7], [sflag:s8] =	dma.local @!p0 [hbm:s6], $0xF7A  }
0x23: {  	s9 =	sor.u32 $0xD0000000, s2;
	s6 =	simm.s32 $0x108;
	_ =	swait.ge @!p0 [sflag:s8], $0x0  }
0x24: {  	s3 =	sadd.s32 $0x88, s3;
	s6 =	simm.s32 @!p1 $0x1082;
	[sflag:s4] =	ssyncset.s32 $0xFFFFF086  }
0x25: {  	[simem:s6], [sflag:s4] =	dma.local [hbm:s3], $0xF7A  }
0x26: {  	[smem:$0x3F9F] =	sst s1;
	(tag) =	ssettag s2;
	_ =	strace s9  }
0x27: {  	s1 =	sld [smem:$0x3FAF]  }
0x28: {  	s2 =	sld [smem:$0x3FB0]  }
0x29: {  	s4 =	sld [smem:$0x3FB2]  }
0x2a: {  	p0 =	seq.s32 s5, $0x0;
	s5 =	sld [smem:$0x3FB3]  }
0x2b: {  	s6 =	sld [smem:$0x3FB4]  }
0x2c: {  	s7 =	sld [smem:$0x3FB5]  }
0x2d: {  	s3 =	simm.s32 $0x108;
	s8 =	sld [smem:$0x3FB6]  }
0x2e: {  	s3 =	simm.s32 @!p0 $0x1082;
	s9 =	sld [smem:$0x3FB7]  }
0x2f: {  	lr =	sadd.s32 s0, s3;
	s0 =	sld [smem:$0x3FAE]  }
0x30: {  	s3 =	sld [smem:$0x3FB1]  }
0x31: {  	[smem:$0x3FBA] =	sst s10  }
0x32: {  	s10 =	sld [smem:$0x3FB8];
	_ =	sdelay $0x3  }
0x33: {  	p0 =	seq.s32 s10, $0x1;
	s10 =	sld [smem:$0x3FBA];
	_ =	sdelay $0x3  }
0x34: {  	[smem:$0x3FBA] =	sst s10  }
0x35: {  	s10 =	sld [smem:$0x3FB9];
	_ =	sdelay $0x3  }
0x36: {  	p1 =	seq.s32 s10, $0x1;
	s10 =	sld [smem:$0x3FBA];
	_ =	sdelay $0x3  }
0x37: {  	[smem:$0x3FBA] =	sst s10  }
0x38: {  	s10 =	sld [smem:$0x3FBB]  }
0x39: {  	_ = 	snop;
	(pc) =	sbr.ind lr, $3  }
0x3a: {  	_ = 	snop  }
0x3b: {  	_ = 	snop  }
0x3c: {  	p2 =	seq.s32 s10, $0x1;
	s10 =	sld [smem:$0x3FBA]  }
0x3d: {  	_ =	shalt  }
0x3e: {  	_ =	shalt  }
0x3f: {  	_ =	shalt  }
0x40: {  	_ =	shalt  }
0x41: {  	_ =	shalt  }
0x42: {  	_ =	shalt  }
0x43: {  	_ =	shalt  }
0x44: {  	_ =	shalt  }
0x45: {  	_ =	shalt  }
0x46: {  	_ =	shalt  }
0x47: {  	_ =	shalt  }
0x48: {  	_ =	shalt  }
0x49: {  	_ =	shalt  }
0x4a: {  	_ =	shalt  }
0x4b: {  	_ =	shalt  }
0x4c: {  	_ =	shalt  }
0x4d: {  	_ =	shalt  }
0x4e: {  	_ =	shalt  }
0x4f: {  	_ =	shalt  }
0x50: {  	_ =	shalt  }
0x51: {  	_ =	shalt  }
0x52: {  	_ =	shalt  }
0x53: {  	_ =	shalt  }
0x54: {  	_ =	shalt  }
0x55: {  	_ =	shalt  }
0x56: {  	_ =	shalt  }
0x57: {  	_ =	shalt  }
0x58: {  	_ =	shalt  }
0x59: {  	_ =	shalt  }
0x5a: {  	_ =	shalt  }
0x5b: {  	_ =	shalt  }
0x5c: {  	_ =	shalt  }
0x5d: {  	_ =	shalt  }
0x5e: {  	_ =	shalt  }
0x5f: {  	_ =	shalt  }
0x60: {  	_ =	shalt  }
0x61: {  	_ =	shalt  }
0x62: {  	_ =	shalt  }
0x63: {  	_ =	shalt  }
0x64: {  	_ =	shalt  }
0x65: {  	_ =	shalt  }
0x66: {  	_ =	shalt  }
0x67: {  	_ =	shalt  }
0x68: {  	_ =	shalt  }
0x69: {  	_ =	shalt  }
0x6a: {  	_ =	shalt  }
0x6b: {  	_ =	shalt  }
0x6c: {  	_ =	shalt  }
0x6d: {  	_ =	shalt  }
0x6e: {  	_ =	shalt  }
0x6f: {  	_ =	shalt  }
0x70: {  	_ =	shalt  }
0x71: {  	_ =	shalt  }
0x72: {  	_ =	shalt  }
0x73: {  	_ =	shalt  }
0x74: {  	_ =	shalt  }
0x75: {  	_ =	shalt  }
0x76: {  	_ =	shalt  }
0x77: {  	_ =	shalt  }
0x78: {  	_ =	shalt  }
0x79: {  	_ =	shalt  }
0x7a: {  	_ =	shalt  }
0x7b: {  	_ =	shalt  }
0x7c: {  	_ =	shalt  }
0x7d: {  	_ =	shalt  }
0x7e: {  	_ =	shalt  }
0x7f: {  	_ =	shalt  }
0x80: {  	_ =	shalt  }
0x81: {  	_ =	shalt  }
0x82: {  	_ =	shalt  }
0x83: {  	_ =	shalt  }
0x84: {  	_ =	shalt  }
0x85: {  	_ =	shalt  }
0x86: {  	_ =	shalt  }
0x87: {  	_ =	shalt  }
.Lfunc_end0:
.L_simem_size_0:
called_computation.1_lowered:
.L_overlay_start_0:
0x88: {  	s2 =	sld [smem:$0x3FD9]  }
0x89: {  	s3 =	sld [smem:$0x3FFE];
	_ =	sdelay $0x1  }
0x8a: {  	s1 =	srdreg.scid  }
0x8b: {  	s0 =	sand.u32 $0x1, s1  }
0x8c: {  	s17 =	sshll.u32 s0, $0xA;
	s2 =	sadd.s32 s3, s2  }
0x8d: {  	s2 =	sadd.s32 s2, s17  }
0x8e: {  	[smem:$0x3FC6] =	sst s2  }
0x8f: {  	_ = 	snop  }
0x90: {  	s2 =	sld [smem:$0x3FC9]  }
0x91: {  	s18 =	sld [smem:$0x3FC8];
	(tm) =	ssettm $0x1  }
0x92: {  	s4 =	sld [smem:$0x3FFB];
	_ =	sdelay $0x3  }
0x93: {  	_ =	strace s4  }
0x94: {  	s4 =	sld [smem:$0x3FFC];
	_ =	sdelay $0x3  }
0x95: {  	_ =	strace s4  }
0x96: {  	s4 =	sld [smem:$0x3FFD];
	_ =	sdelay $0x3  }
0x97: {  	_ =	strace s4  }
0x98: {  	_ =	strace $0x8FFFFFFF  }
0x99: {  	s19 =	sld [smem:$0x3FDB];
	_ =	sdelay $0x1  }
0x9a: {  	s5 =	simm.s32 $_scs_section_size  }
0x9b: {  	s6 =	simm.s32 $_size__tile_overlayer_lowered;
	s7 =	simm.s32 $_tile_overlayer_lowered  }
0x9c: {  	s22 =	simm.s32 $0x1BFF;
	s21 =	sshll.u32 s7, $0x1;
	s4 =	sadd.s32 s5, s19  }
0x9d: {  	s8 =	simm.s32 $0x0;
	s20 =	sshll.u32 s6, $0x1;
	s6 =	sadd.s32 s21, s4  }
0x9e: {  	[timem:s8], [sflag:s22] =	dma.local [hbm:s6], s20  }
0x9f: {  	_ =	swait.ge [sflag:s22], s20  }
0xa0: {  	s5 =	ssub.s32 $0x0, s20;
	[sflag:s22] =	ssyncset.done $0x0  }
0xa1: {  	[sflag:s22] =	ssyncadd.s32 s5;
	_ =	sdelay $0x1  }
0xa2: {  	s23 =	simm.s32 $0x1B8B  }
0xa3: {  	_ =	swait.ge [sflag:s23], $0x1  }
0xa4: {  	[sflag:s23] =	ssyncset.done $0x0  }
0xa5: {  	s25 =	simm.s32 $0x1B8E;
	s24 =	sld [smem:$0x3FFE];
	[sflag:s23] =	ssyncadd.s32 $0xFFFFFFFF  }
0xa6: {  	s26 =	simm.s32 $execute0_lowered;
	[smem:$0x3FD2] =	sst s25  }
0xa7: {  	s6 =	sshll.u32 s26, $0x1;
	_ =	strace $0x80000046;
	[dreg:$0x1] =	wrdreg $0xFFFFFFFF  }
0xa8: {  	s28 =	simm.s32 $_size_execute0_lowered;
	s4 =	sadd.s32 s4, s6;
	[dreg:$0x0] =	wrdreg $0x0  }
0xa9: {  	s6 =	sshll.u32 s28, $0x1;
	[dreg:$0x2] =	wrdreg s4  }
0xaa: {  	[dreg:$0x3] =	wrdreg s6  }
0xab: {  	[dreg:$0x4] =	wrdreg $0xC0  }
0xac: {  	_ =	task [dreg:s8], $0x5FFFF  }
0xad: {  	[dreg:$0x1] =	wrdreg $0xFFFFFFFF  }
0xae: {  	[dreg:$0x0] =	wrdreg $0x60  }
0xaf: {  	[dreg:$0x2] =	wrdreg s2  }
0xb0: {  	[dreg:$0x3] =	wrdreg s18  }
0xb1: {  	[dreg:$0x4] =	wrdreg s24  }
0xb2: {  	[dreg:$0x5] =	wrdreg $0x9  }
0xb3: {  	_ =	task.clear_ibuf [dreg:s8], $0x6FFFF;
	_ =	strace $0x90000046  }
0xb4: {  	s29 =	simm.s32 $0x9;
	_ =	strace $0x80000048  }
0xb5: {  	_ =	swait.ge [sflag:s29], $0x1  }
0xb6: {  	[sflag:s29] =	ssyncadd.s32 $0xFFFFFFFF  }
0xb7: {  	_ =	strace $0x90000048  }
0xb8: {  	_ =	sfence  }
0xb9: {  	s30 =	sld [smem:$0x0];
	_ =	sdelay $0x2  }
0xba: {  	s31 =	sshll.u32 s1, $0xD;
	s1 =	sshrl.u32 s1, $0x2  }
0xbb: {  	s3 =	sand.u32 $0x4000, s31;
	s1 =	sadd.s32 s1, s30  }
0xbc: {  	s0 =	sor.u32 s3, s0;
	s1 =	sshll.u32 s1, $0x11  }
0xbd: {  	s0 =	sor.u32 s1, s0  }
0xbe: {  	s0 =	sadd.s32 $0x8F2B, s0  }
0xbf: {  	[sflag:s0] =	ssyncadd.remote.s32 $0x1  }
0xc0: {  	_ =	sfence.sel $0xFFFF  }
0xc1: {  	[dreg:$0x0] =	wrdreg $0xFFFFFFFF;
	(pc) =	sbr.abs _section_cstart, $3  }
0xc2: {  	[dreg:$0x1] =	wrdreg $0xFFFFFFFF  }
0xc3: {  	_ =	task.clear_ibuf [dreg:s8], $0x2FFFF;
	_ =	strace $0x9FFFFFFF  }
0xc4: {  	(tm) =	ssettm $0x7FFFFFFF  }
0xc5: {  	_ =	shalt  }
tec
execute0_lowered:
.L_overlay_start_1:
0x0: {  	(tag) =	ssettag $0x1  }
0x1: {  	s0 =	srdreg.scid;
	s2 =	stileid.u32  }
0x2: {  	s0 =	sand.u32 $0x1, s0;
	s2 =	sshll.u32 s2, $0x1  }
0x3: {  	s2 =	sor.u32 s0, s2  }
0x4: {  	s1 =	rddreg [dreg:$0x0];
	s6 =	smul.u32 $0x4D0000, s2  }
0x5: {  	s3 =	rddreg [dreg:$0x2];
	s4 =	simm.s32 $0x0;
	s2 =	smul.u32 $0x268000, s2  }
0x6: {  	[smem:$0x7FF] =	sst s4  }
0x7: {  	_ =	strace $0x80000047;
	s23 =	sadd.s32 $0x10000, s6;
	[dreg:$0x5] =	wrdreg s2  }
0x8: {  	s24 =	sadd.s32 $0x14000, s6;
	[dreg:$0x9] =	wrdreg s23  }
0x9: {  	s25 =	sor.u32 $0x2000, s2;
	[dreg:$0xa] =	wrdreg s24  }
0xa: {  	s26 =	sadd.s32 $0x18000, s6;
	[dreg:$0xb] =	wrdreg s25  }
0xb: {  	s0 =	ssub.s32 $0x2, s0;
	s28 =	sor.u32 $0x4000, s2;
	[dreg:$0xc] =	wrdreg s26  }
0xc: {  	s7 =	sshrl.u32 s0, $0x1;
	s30 =	sadd.s32 $0x1C000, s6;
	[dreg:$0xd] =	wrdreg s28  }
0xd: {  	s0 =	ssub.s32 s0, s7;
	s2 =	sor.u32 $0x6000, s2;
	[dreg:$0xe] =	wrdreg s30  }
0xe: {  	s8 =	sshrl.u32 s6, $0x3;
	s0 =	smax.u32 s0, $0x1;
	[dreg:$0xf] =	wrdreg s2  }
0xf: {  	s20 =	sadd.s32 s1, s8;
	[dreg:$0x10] =	wrdreg s0  }
0x10: {  	s29 =	simm.s32 $0x3;
	s21 =	sadd.s32 $0x800, s20;
	[dreg:$0x4] =	wrdreg s20  }
0x11: {  	s31 =	simm.s32 $0x4;
	s22 =	sadd.s32 $0x1000, s20;
	[dreg:$0x6] =	wrdreg s21  }
0x12: {  	s5 =	sadd.s32 $0xA00, s3;
	s3 =	sadd.s32 $0x1800, s20;
	[dreg:$0x7] =	wrdreg s22  }
0x13: {  	s23 =	simm.s32 $0xC080;
	s20 =	simm.s32 $0x80;
	[dreg:$0x8] =	wrdreg s3  }
0x14: {  	s21 =	simm.s32 $0x4080;
	s22 =	simm.s32 $0x8080;
	s3 =	simm.s32 $0x0  }
.LBB2_1:
0x15: {  	[dreg:$0x11] =	wrdreg s3  }
0x16: {  	s0 =	rddreg [dreg:$0x1];
	s24 =	simm.s32 $0x9  }
0x17: {  	[tilespmem:s4], [sflag:$0x9] =	stream.linear.gather [hbm4b:s0+s4], $0x80, $0x38;
	[tilespmem:$0x18080] =	vst v63  }
0x18: {  	_ =	swait.ge [sflag:s24], $0x80  }
0x19: {  	[sflag:s24] =	ssyncset.done $0x0  }
0x1a: {  	[sflag:s24] =	ssyncadd.s32 $0xFFFFFF80  }
0x1b: {  	v0 =	vld [tilespmem:$0x0]  }
0x1c: {  	v1 =	vld [tilespmem:$0x10]  }
0x1d: {  	s25 =	rddreg [dreg:$0x4];
	v2 =	vld [tilespmem:$0x20]  }
0x1e: {  	v3 =	vld [tilespmem:$0x30];
	[tilespmem:s20], [sflag:$0x1] =	stream.linear.gather [hbm4b:s25+s4], $0x4000, $0x38  }
0x1f: {  	s26 =	rddreg [dreg:$0x6]  }
0x20: {  	[tilespmem:s21], [sflag:$0x2] =	stream.linear.gather [hbm4b:s26+s4], $0x4000, $0x38;
	[tilespmem:$0x18080] =	vst v63  }
0x21: {  	s28 =	rddreg [dreg:$0x7]  }
0x22: {  	[tilespmem:s22], [sflag:$0x3] =	stream.linear.gather [hbm4b:s28+s4], $0x4000, $0x38;
	[tilespmem:$0x18080] =	vst v63  }
0x23: {  	s18 =	simm.s32 $0x0;
	s30 =	rddreg [dreg:$0x8]  }
0x24: {  	[tilespmem:s23], [sflag:$0x4] =	stream.linear.gather [hbm4b:s30+s4], $0x4000, $0x38;
	[tilespmem:$0x18080] =	vst v63  }
.LBB2_2:
0x25: {  	s2 =	simm.s32 $0x1  }
0x26: {  	s6 =	simm.s32 $0x380;
	_ =	swait.ge [sflag:s2], $0x4000  }
0x27: {  	p0 =	seq.s32 s18, $0x0;
	s0 =	simm.s32 $0x0;
	v4 =	vadd.s32 s6, v0;
	[sflag:s2] =	ssyncset.done $0x0  }
0x28: {  	s17 =	simm.s32 $0x80;
	s3 =	simm.s32 @!p0 $0x5;
	v5 =	vadd.s32 s0, v0;
	[sflag:s2] =	ssyncadd.s32 $0xFFFFC000  }
0x29: {  	s11 =	simm.s32 $0x100;
	v6 =	vadd.s32 s17, v0;
	_ =	swait.ge @!p0 [sflag:s3], $0x2000  }
0x2a: {  	s7 =	simm.s32 $0x180;
	v7 =	vadd.s32 s11, v0;
	[sflag:s3] =	ssyncset.done @!p0 $0x0  }
0x2b: {  	s9 =	simm.s32 $0x200;
	v8 =	vadd.s32 s7, v0;
	[sflag:s3] =	ssyncadd.s32 @!p0 $0xFFFFE000  }
0x2c: {  	s25 =	simm.s32 $0x280;
	v9 =	vadd.s32 s9, v0;
	v4 =	vld.idx.msk [tilespmem:v4+s20+$0x0], $0xffff  }
0x2d: {  	s24 =	simm.s32 $0x300;
	v10 =	vadd.s32 s25, v0;
	v5 =	vld.idx.msk [tilespmem:v5+s20+$0x0], $0xffff  }
0x2e: {  	v11 =	vadd.s32 s24, v0;
	v6 =	vld.idx.msk [tilespmem:v6+s20+$0x0], $0xffff  }
0x2f: {  	v12 =	vadd.s32 s0, v1;
	v7 =	vld.idx.msk [tilespmem:v7+s20+$0x0], $0xffff  }
0x30: {  	v13 =	vadd.s32 s17, v1;
	v8 =	vld.idx.msk [tilespmem:v8+s20+$0x0], $0xffff  }
0x31: {  	s8 =	simm.s32 $0x10180;
	v14 =	vadd.s32 s11, v1;
	v9 =	vld.idx.msk [tilespmem:v9+s20+$0x0], $0xffff  }
0x32: {  	v15 =	vadd.s32 s7, v1;
	v10 =	vld.idx.msk [tilespmem:v10+s20+$0x0], $0xffff;
	[tilespmem:s8+$0xC0] =	vst v4  }
0x33: {  	[tilespmem:s8+$0xFFFFFF00] =	vst v5;
	v4 =	vadd.s32 s9, v1;
	v5 =	vld.idx.msk [tilespmem:v11+s20+$0x0], $0xffff  }
0x34: {  	[tilespmem:s8+$0xFFFFFF40] =	vst v6;
	v6 =	vadd.s32 s25, v1;
	v11 =	vld.idx.msk [tilespmem:v12+s20+$0x0], $0xffff  }
0x35: {  	[tilespmem:s8+$0xFFFFFF80] =	vst v7;
	v7 =	vadd.s32 s24, v1;
	v12 =	vld.idx.msk [tilespmem:v13+s20+$0x0], $0xffff  }
0x36: {  	[tilespmem:s8+$0xFFFFFFC0] =	vst v8;
	v13 =	vadd.s32 s0, v2;
	v14 =	vld.idx.msk [tilespmem:v14+s20+$0x0], $0xffff  }
0x37: {  	[tilespmem:s8+$0x0] =	vst v9;
	v9 =	vadd.s32 s11, v2;
	v8 =	vld.idx.msk [tilespmem:v15+s20+$0x0], $0xffff  }
0x38: {  	[tilespmem:s8+$0x40] =	vst v10;
	v10 =	vadd.s32 s7, v2;
	v4 =	vld.idx.msk [tilespmem:v4+s20+$0x0], $0xffff  }
0x39: {  	v6 =	vld.idx.msk [tilespmem:v6+s20+$0x0], $0xffff;
	[tilespmem:s8+$0x80] =	vst v5  }
0x3a: {  	s12 =	simm.s32 $0xC0;
	v15 =	vadd.s32 s17, v2;
	[tilespmem:s8+$0xFFFFFF10] =	vst v11;
	v7 =	vld.idx.msk [tilespmem:v7+s20+$0x0], $0xffff  }
0x3b: {  	s10 =	simm.s32 $0x40;
	s13 =	sor.u32 $0x50, s12;
	v5 =	vadd.s32 s9, v2;
	[tilespmem:s8+$0xFFFFFF90] =	vst v14;
	v11 =	vld.idx.msk [tilespmem:v13+s20+$0x0], $0xffff  }
0x3c: {  	s26 =	sor.u32 $0x50, s10;
	v14 =	vadd.s32 s25, v2;
	[tilespmem:s13+$0x10080] =	vst v8;
	v9 =	vld.idx.msk [tilespmem:v9+s20+$0x0], $0xffff  }
0x3d: {  	s19 =	simm.s32 $0x140;
	[tilespmem:s26+$0x10080] =	vst v12;
	v13 =	vadd.s32 s24, v2;
	v8 =	vld.idx.msk [tilespmem:v10+s20+$0x0], $0xffff  }
0x3e: {  	s13 =	sor.u32 $0x50, s19;
	[tilespmem:s8+$0x10] =	vst v4  }
0x3f: {  	v10 =	vadd.s32 s7, v3;
	v12 =	vld.idx.msk [tilespmem:v15+s20+$0x0], $0xffff;
	[tilespmem:s13+$0x10080] =	vst v6  }
0x40: {  	v4 =	vadd.s32 s11, v3;
	v5 =	vld.idx.msk [tilespmem:v5+s20+$0x0], $0xffff;
	[tilespmem:s8+$0x90] =	vst v7  }
0x41: {  	s14 =	sor.u32 $0x60, s12;
	v7 =	vadd.s32 s9, v3;
	v14 =	vld.idx.msk [tilespmem:v14+s20+$0x0], $0xffff;
	[tilespmem:s8+$0xFFFFFFA0] =	vst v9  }
0x42: {  	v6 =	vld.idx.msk [tilespmem:v13+s20+$0x0], $0xffff;
	v13 =	vadd.s32 s6, v1;
	[tilespmem:s14+$0x10080] =	vst v8  }
0x43: {  	s15 =	sor.u32 $0x60, s10;
	v8 =	vadd.s32 s0, v3;
	[tilespmem:s8+$0xFFFFFF20] =	vst v11  }
0x44: {  	v9 =	vadd.s32 s24, v3;
	s0 =	simm.s32 $0x780;
	[tilespmem:s15+$0x10080] =	vst v12;
	v10 =	vld.idx.msk [tilespmem:v10+s20+$0x0], $0xffff  }
0x45: {  	s16 =	sor.u32 $0x60, s19;
	v11 =	vadd.s32 s0, v0;
	v4 =	vld.idx.msk [tilespmem:v4+s20+$0x0], $0xffff;
	[tilespmem:s8+$0x20] =	vst v5  }
0x46: {  	s15 =	simm.s32 $0x500;
	v5 =	vadd.s32 s17, v3;
	[tilespmem:s16+$0x10080] =	vst v14;
	v7 =	vld.idx.msk [tilespmem:v7+s20+$0x0], $0xffff  }
0x47: {  	s2 =	simm.s32 $0x400;
	v14 =	vadd.s32 s15, v0;
	[tilespmem:s8+$0xA0] =	vst v6;
	v6 =	vld.idx.msk [tilespmem:v13+s20+$0x0], $0xffff  }
0x48: {  	s7 =	simm.s32 $0x480;
	v13 =	vadd.s32 s2, v0;
	v8 =	vld.idx.msk [tilespmem:v8+s20+$0x0], $0xffff  }
0x49: {  	v12 =	vadd.s32 s7, v0;
	s17 =	sor.u32 $0x70, s12;
	v9 =	vld.idx.msk [tilespmem:v9+s20+$0x0], $0xffff  }
0x4a: {  	s16 =	simm.s32 $0x600;
	[tilespmem:s17+$0x10080] =	vst v10;
	v11 =	vld.idx.msk [tilespmem:v11+s20+$0x0], $0xffff  }
0x4b: {  	s3 =	simm.s32 $0x1C0;
	s14 =	simm.s32 $0x580;
	v10 =	vadd.s32 s16, v0;
	[tilespmem:s8+$0xFFFFFFB0] =	vst v4;
	v5 =	vld.idx.msk [tilespmem:v5+s20+$0x0], $0xffff  }
0x4c: {  	s9 =	simm.s32 $0x680;
	s24 =	sor.u32 $0x50, s3;
	v4 =	vadd.s32 s14, v0;
	v14 =	vld.idx.msk [tilespmem:v14+s20+$0x0], $0xffff;
	[tilespmem:s8+$0x30] =	vst v7  }
0x4d: {  	s26 =	simm.s32 $0x700;
	v7 =	vld.idx.msk [tilespmem:v13+s20+$0x0], $0xffff;
	v13 =	vadd.s32 s9, v0;
	[tilespmem:s24+$0x10080] =	vst v6  }
0x4e: {  	v6 =	vld.idx.msk [tilespmem:v12+s20+$0x0], $0xffff;
	v12 =	vadd.s32 s26, v0;
	[tilespmem:s8+$0xFFFFFF30] =	vst v8  }
0x4f: {  	v8 =	vadd.s32 s15, v1;
	[tilespmem:s8+$0xB0] =	vst v9;
	s8 =	simm.s32 $0x10380  }
0x50: {  	s11 =	sor.u32 $0x70, s10;
	v9 =	vadd.s32 s2, v1;
	v10 =	vld.idx.msk [tilespmem:v10+s20+$0x0], $0xffff;
	[tilespmem:s8+$0xC0] =	vst v11  }
0x51: {  	v15 =	vadd.s32 s7, v1;
	v4 =	vld.idx.msk [tilespmem:v4+s20+$0x0], $0xffff;
	[tilespmem:s11+$0x10080] =	vst v5  }
0x52: {  	v5 =	vadd.s32 s14, v1;
	[tilespmem:s8+$0xFFFFFF80] =	vst v14;
	v13 =	vld.idx.msk [tilespmem:v13+s20+$0x0], $0xffff  }
0x53: {  	[tilespmem:s8+$0xFFFFFF00] =	vst v7;
	v7 =	vadd.s32 s16, v1;
	v11 =	vld.idx.msk [tilespmem:v12+s20+$0x0], $0xffff  }
0x54: {  	[tilespmem:s8+$0xFFFFFF40] =	vst v6;
	v6 =	vadd.s32 s9, v1;
	v8 =	vld.idx.msk [tilespmem:v8+s20+$0x0], $0xffff  }
0x55: {  	v14 =	vadd.s32 s26, v1;
	v9 =	vld.idx.msk [tilespmem:v9+s20+$0x0], $0xffff;
	[tilespmem:s8+$0x0] =	vst v10  }
0x56: {  	v12 =	vld.idx.msk [tilespmem:v15+s20+$0x0], $0xffff;
	v10 =	vadd.s32 s15, v2;
	[tilespmem:s8+$0xFFFFFFC0] =	vst v4  }
0x57: {  	v15 =	vadd.s32 s2, v2;
	v5 =	vld.idx.msk [tilespmem:v5+s20+$0x0], $0xffff;
	[tilespmem:s8+$0x40] =	vst v13  }
0x58: {  	v4 =	vadd.s32 s7, v2;
	v7 =	vld.idx.msk [tilespmem:v7+s20+$0x0], $0xffff;
	[tilespmem:s8+$0x80] =	vst v11  }
0x59: {  	s10 =	simm.s32 $0x240;
	v13 =	vadd.s32 s14, v2;
	[tilespmem:s8+$0xFFFFFF90] =	vst v8;
	v6 =	vld.idx.msk [tilespmem:v6+s20+$0x0], $0xffff  }
0x5a: {  	s12 =	sor.u32 $0x50, s10;
	[tilespmem:s8+$0xFFFFFF10] =	vst v9;
	v9 =	vadd.s32 s16, v2;
	v11 =	vld.idx.msk [tilespmem:v14+s20+$0x0], $0xffff  }
0x5b: {  	s11 =	simm.s32 $0x2C0;
	[tilespmem:s12+$0x10080] =	vst v12;
	v12 =	vadd.s32 s9, v2;
	v10 =	vld.idx.msk [tilespmem:v10+s20+$0x0], $0xffff  }
0x5c: {  	s17 =	sor.u32 $0x50, s11;
	v8 =	vadd.s32 s26, v2;
	v14 =	vld.idx.msk [tilespmem:v15+s20+$0x0], $0xffff  }
0x5d: {  	s12 =	simm.s32 $0x340;
	v15 =	vadd.s32 s6, v2;
	v4 =	vld.idx.msk [tilespmem:v4+s20+$0x0], $0xffff;
	[tilespmem:s17+$0x10080] =	vst v5  }
0x5e: {  	s17 =	sor.u32 $0x50, s12;
	v5 =	vadd.s32 s25, v3;
	v13 =	vld.idx.msk [tilespmem:v13+s20+$0x0], $0xffff;
	[tilespmem:s8+$0x10] =	vst v7  }
0x5f: {  	v16 =	vadd.s32 s15, v3;
	v17 =	vld.idx.msk [tilespmem:v9+s20+$0x0], $0xffff;
	[tilespmem:s17+$0x10080] =	vst v6  }
0x60: {  	v6 =	vadd.s32 s14, v3;
	[tilespmem:s8+$0x90] =	vst v11;
	v18 =	vld.idx.msk [tilespmem:v12+s20+$0x0], $0xffff  }
0x61: {  	v19 =	vadd.s32 s16, v3;
	[tilespmem:s8+$0xFFFFFFA0] =	vst v10;
	v11 =	vld.idx.msk [tilespmem:v8+s20+$0x0], $0xffff  }
0x62: {  	s25 =	sor.u32 $0x60, s11;
	[tilespmem:s8+$0xFFFFFF20] =	vst v14;
	v9 =	vld.idx.msk [tilespmem:v15+s20+$0x0], $0xffff;
	v14 =	vadd.s32 s0, v1  }
0x63: {  	s24 =	sor.u32 $0x60, s10;
	v7 =	vld.idx.msk [tilespmem:v5+s20+$0x0], $0xffff;
	[tilespmem:s25+$0x10080] =	vst v13;
	v13 =	vadd.s32 s26, v3  }
0x64: {  	[tilespmem:s24+$0x10080] =	vst v4;
	v4 =	vadd.s32 s6, v3;
	v5 =	vld.idx.msk [tilespmem:v16+s20+$0x0], $0xffff  }
0x65: {  	s28 =	simm.s32 $0x8;
	s30 =	simm.s32 $0xB80;
	v12 =	vadd.s32 s2, v3;
	s26 =	sor.u32 $0x60, s12;
	v6 =	vld.idx.msk [tilespmem:v6+s20+$0x0], $0xffff;
	[tilespmem:s8+$0x20] =	vst v17  }
0x66: {  	s14 =	sor.u32 $0x60, s3;
	v10 =	vadd.s32 s7, v3;
	s6 =	sshll.u32 s18, $0x10;
	s25 =	simm.s32 $0x3C0;
	v8 =	vld.idx.msk [tilespmem:v19+s20+$0x0], $0xffff;
	[tilespmem:s26+$0x10080] =	vst v18  }
.LBB2_3:
0x67: {  	s2 =	sadd.s32 $0xFFFFFC80, s30;
	s13 =	sadd.s32 $0xFFFFFE00, s30;
	v15 =	vadd.s32 s30, v0;
	s28 =	sadd.s32 $0x8, s28;
	[tilespmem:s8+$0xA0] =	vst v11;
	v11 =	vld.idx.msk [tilespmem:v14+s20+$0x0], $0xffff  }
0x68: {  	s7 =	sadd.s32 $0xFFFFFD00, s30;
	s15 =	sor.u32 $0x70, s19;
	s24 =	sor.u32 $0x70, s3;
	v14 =	vadd.s32 s2, v0;
	v16 =	vadd.s32 s13, v1;
	v13 =	vld.idx.msk [tilespmem:v13+s20+$0x0], $0xffff;
	[tilespmem:s14+$0x10080] =	vst v9  }
0x69: {  	s3 =	smov.u32 s25;
	v9 =	vadd.s32 s7, v0;
	s14 =	sadd.s32 $0xFFFFFD80, s30;
	p1 =	slt.u32 s28, $0x78;
	[tilespmem:s15+$0x10080] =	vst v7;
	v4 =	vld.idx.msk [tilespmem:v4+s20+$0x0], $0xffff  }
0x6a: {  	s11 =	sor.u32 $0x70, s11;
	s19 =	smov.u32 s12;
	v7 =	vadd.s32 s14, v0;
	v12 =	vld.idx.msk [tilespmem:v12+s20+$0x0], $0xffff;
	[tilespmem:s8+$0xFFFFFFB0] =	vst v5  }
0x6b: {  	s15 =	sadd.s32 $0xFFFFFE80, s30;
	v5 =	vadd.s32 s13, v0;
	v10 =	vld.idx.msk [tilespmem:v10+s20+$0x0], $0xffff;
	[tilespmem:s11+$0x10080] =	vst v6  }
0x6c: {  	s17 =	sadd.s32 $0xFFFFFF00, s30;
	v6 =	vadd.s32 s15, v0;
	s11 =	sor.u32 $0x50, s25;
	v15 =	vld.idx.msk [tilespmem:v15+s20+$0x0], $0xffff;
	[tilespmem:s8+$0x30] =	vst v8  }
0x6d: {  	s16 =	sadd.s32 $0xFFFFFF80, s30;
	v8 =	vld.idx.msk [tilespmem:v14+s20+$0x0], $0xffff;
	v14 =	vadd.s32 s17, v0;
	[tilespmem:s11+$0x10080] =	vst v11  }
0x6e: {  	v11 =	vadd.s32 s16, v0;
	v9 =	vld.idx.msk [tilespmem:v9+s20+$0x0], $0xffff;
	[tilespmem:s8+$0xB0] =	vst v13  }
0x6f: {  	v13 =	vadd.s32 s2, v1;
	v7 =	vld.idx.msk [tilespmem:v7+s20+$0x0], $0xffff;
	[tilespmem:s24+$0x10080] =	vst v4  }
0x70: {  	s10 =	sor.u32 $0x70, s10;
	v4 =	vadd.s32 s7, v1;
	v5 =	vld.idx.msk [tilespmem:v5+s20+$0x0], $0xffff;
	[tilespmem:s8+$0xFFFFFF30] =	vst v12  }
0x71: {  	v12 =	vadd.s32 s14, v1;
	s8 =	sadd.s32 $0x200, s8;
	v6 =	vld.idx.msk [tilespmem:v6+s20+$0x0], $0xffff;
	[tilespmem:s10+$0x10080] =	vst v10  }
0x72: {  	v10 =	vld.idx.msk [tilespmem:v14+s20+$0x0], $0xffff;
	[tilespmem:s8+$0xC0] =	vst v15  }
0x73: {  	[tilespmem:s8+$0xFFFFFF00] =	vst v8;
	v8 =	vadd.s32 s15, v1;
	v11 =	vld.idx.msk [tilespmem:v11+s20+$0x0], $0xffff  }
0x74: {  	v13 =	vld.idx.msk [tilespmem:v13+s20+$0x0], $0xffff;
	[tilespmem:s8+$0xFFFFFF40] =	vst v9;
	v9 =	vadd.s32 s17, v1  }
0x75: {  	v4 =	vld.idx.msk [tilespmem:v4+s20+$0x0], $0xffff;
	[tilespmem:s8+$0xFFFFFF80] =	vst v7;
	v7 =	vadd.s32 s16, v1  }
0x76: {  	v14 =	vadd.s32 s2, v2;
	v12 =	vld.idx.msk [tilespmem:v12+s20+$0x0], $0xffff;
	[tilespmem:s8+$0xFFFFFFC0] =	vst v5  }
0x77: {  	v5 =	vadd.s32 s7, v2;
	v15 =	vld.idx.msk [tilespmem:v16+s20+$0x0], $0xffff;
	[tilespmem:s8+$0x0] =	vst v6  }
0x78: {  	s25 =	sadd.s32 $0x200, s25;
	v6 =	vadd.s32 s14, v2;
	v8 =	vld.idx.msk [tilespmem:v8+s20+$0x0], $0xffff;
	[tilespmem:s8+$0x40] =	vst v10  }
0x79: {  	s10 =	sadd.s32 $0xFFFFFE80, s25;
	v10 =	vadd.s32 s13, v2;
	v9 =	vld.idx.msk [tilespmem:v9+s20+$0x0], $0xffff;
	[tilespmem:s8+$0x80] =	vst v11  }
0x7a: {  	s11 =	sor.u32 $0x50, s10;
	v11 =	vadd.s32 s15, v2;
	[tilespmem:s8+$0xFFFFFF10] =	vst v13;
	v7 =	vld.idx.msk [tilespmem:v7+s20+$0x0], $0xffff  }
0x7b: {  	v13 =	vld.idx.msk [tilespmem:v14+s20+$0x0], $0xffff;
	[tilespmem:s11+$0x10080] =	vst v4;
	s11 =	sadd.s32 $0xFFFFFF00, s25;
	v14 =	vadd.s32 s17, v2  }
0x7c: {  	v16 =	vadd.s32 s0, v2;
	v5 =	vld.idx.msk [tilespmem:v5+s20+$0x0], $0xffff;
	[tilespmem:s8+$0xFFFFFF90] =	vst v12;
	s12 =	sor.u32 $0x50, s11;
	v12 =	vadd.s32 s16, v2  }
0x7d: {  	v6 =	vld.idx.msk [tilespmem:v6+s20+$0x0], $0xffff;
	[tilespmem:s12+$0x10080] =	vst v15;
	s12 =	sadd.s32 $0xFFFFFF80, s25  }
0x7e: {  	v4 =	vadd.s32 s0, v3;
	s0 =	smov.u32 s30;
	v10 =	vld.idx.msk [tilespmem:v10+s20+$0x0], $0xffff;
	[tilespmem:s8+$0x10] =	vst v8;
	s24 =	sor.u32 $0x50, s12;
	v8 =	vadd.s32 s9, v3;
	s9 =	smov.u32 s17  }
0x7f: {  	v15 =	vadd.s32 s14, v3;
	v17 =	vld.idx.msk [tilespmem:v11+s20+$0x0], $0xffff;
	[tilespmem:s24+$0x10080] =	vst v9  }
0x80: {  	v18 =	vadd.s32 s13, v3;
	v19 =	vld.idx.msk [tilespmem:v14+s20+$0x0], $0xffff;
	[tilespmem:s8+$0x90] =	vst v7  }
0x81: {  	v20 =	vadd.s32 s15, v3;
	s13 =	sor.u32 $0x60, s10;
	s14 =	sor.u32 $0x60, s3;
	[tilespmem:s8+$0xFFFFFF20] =	vst v13;
	v11 =	vld.idx.msk [tilespmem:v12+s20+$0x0], $0xffff  }
.Ltmp0:
0x82: {  	v14 =	vadd.s32 s30, v1;
	[tilespmem:s13+$0x10080] =	vst v5;
	v9 =	vld.idx.msk [tilespmem:v16+s20+$0x0], $0xffff;
	(pc) =	sbr.rel @p1 .LBB2_3-.Ltmp0, $4  }
0x83: {  	v13 =	vadd.s32 s16, v3;
	s13 =	sor.u32 $0x60, s11;
	[tilespmem:s8+$0xFFFFFFA0] =	vst v6;
	v7 =	vld.idx.msk [tilespmem:v8+s20+$0x0], $0xffff  }
0x84: {  	v5 =	vld.idx.msk [tilespmem:v15+s20+$0x0], $0xffff;
	[tilespmem:s13+$0x10080] =	vst v10  }
0x85: {  	v12 =	vadd.s32 s2, v3;
	s2 =	sor.u32 $0x60, s12;
	v6 =	vld.idx.msk [tilespmem:v18+s20+$0x0], $0xffff;
	[tilespmem:s8+$0x20] =	vst v17  }
0x86: {  	s30 =	sadd.s32 $0x400, s30;
	v10 =	vadd.s32 s7, v3;
	v8 =	vld.idx.msk [tilespmem:v20+s20+$0x0], $0xffff;
	[tilespmem:s2+$0x10080] =	vst v19  }
0x87: {  	_ =	sdelay $0x3  }
0x88: {  	v14 =	vld.idx.msk [tilespmem:v14+s20+$0x0], $0xffff  }
0x89: {  	v15 =	vadd.s32 s0, v2  }
0x8a: {  	[tilespmem:s8+$0xA0] =	vst v11  }
0x8b: {  	s26 =	sor.u32 $0x70, s19;
	[tilespmem:s14+$0x10080] =	vst v9  }
0x8c: {  	s2 =	sor.u32 $0x50, s25;
	v13 =	vld.idx.msk [tilespmem:v13+s20+$0x0], $0xffff;
	[tilespmem:s26+$0x10080] =	vst v7  }
0x8d: {  	v4 =	vld.idx.msk [tilespmem:v4+s20+$0x0], $0xffff;
	[tilespmem:s2+$0x10080] =	vst v14  }
0x8e: {  	v9 =	vadd.s32 s9, v3;
	[tilespmem:s8+$0xFFFFFFB0] =	vst v5;
	v11 =	vld.idx.msk [tilespmem:v15+s20+$0x0], $0xffff  }
0x8f: {  	v7 =	vadd.s32 s0, v3;
	v5 =	vld.idx.msk [tilespmem:v12+s20+$0x0], $0xffff;
	[tilespmem:s8+$0x30] =	vst v8;
	s2 =	sor.u32 $0x70, s11  }
0x90: {  	[tilespmem:s2+$0x10080] =	vst v6;
	v6 =	vld.idx.msk [tilespmem:v10+s20+$0x0], $0xffff  }
0x91: {  	s9 =	sor.u32 $0x70, s3;
	[tilespmem:s8+$0xB0] =	vst v13  }
0x92: {  	s7 =	sor.u32 $0x60, s25;
	[tilespmem:s9+$0x10080] =	vst v4  }
0x93: {  	v8 =	vld.idx.msk [tilespmem:v9+s20+$0x0], $0xffff;
	[tilespmem:s7+$0x10080] =	vst v11  }
0x94: {  	s10 =	sor.u32 $0x70, s10;
	[tilespmem:s8+$0xFFFFFF30] =	vst v5;
	v7 =	vld.idx.msk [tilespmem:v7+s20+$0x0], $0xffff  }
0x95: {  	[tilespmem:s10+$0x10080] =	vst v6  }
0x96: {  	p1 =	seq.s32 s18, $0x4C;
	s2 =	rddreg [dreg:$0x9]  }
0x97: {  	s11 =	sor.u32 $0x70, s12;
	s2 =	sadd.s32 @!p1 s6, s2  }
0x98: {  	s12 =	sor.u32 $0x70, s25;
	[tilespmem:s11+$0x10080] =	vst v8;
	s0 =	sshrl.u32 @!p1 s2, $0x3  }
0x99: {  	s3 =	simm.s32 @!p1 $0x80;
	s2 =	simm.s32 @!p1 $0x0;
	s0 =	sadd.s32 @!p1 s1, s0;
	[tilespmem:s12+$0x10080] =	vst v7  }
0x9a: {  	[tilespmem:s3], [sflag:$0x1] =	stream.linear.gather @!p1 [hbm4b:s0+s2], $0x4000, $0x38;
	[tilespmem:$0x18080] =	vst v63  }
0x9b: {  	s19 =	sshll.u32 s18, $0xF;
	s13 =	rddreg [dreg:$0x5]  }
0x9c: {  	s0 =	sadd.s32 s13, s19  }
0x9d: {  	s0 =	sshrl.u32 s0, $0x3  }
0x9e: {  	s14 =	simm.s32 $0x10080;
	s15 =	simm.s32 $0x2;
	s0 =	sadd.s32 s5, s0  }
0x9f: {  	[hbm4b:s0+s4] =	stream.linear.scatter [tilespmem:s14], [sflag:$0x5], $0x2000, $0x38;
	[tilespmem:$0x18080] =	vst v63  }
0xa0: {  	s28 =	simm.s32 $0x380;
	_ =	swait.ge [sflag:s15], $0x4000  }
0xa1: {  	v4 =	vadd.s32 s28, v0;
	s2 =	simm.s32 $0x0;
	[sflag:s15] =	ssyncset.done $0x0  }
0xa2: {  	s3 =	simm.s32 $0x80;
	v5 =	vadd.s32 s2, v0;
	s0 =	simm.s32 @!p0 $0x6;
	[sflag:s15] =	ssyncadd.s32 $0xFFFFC000  }
0xa3: {  	s16 =	simm.s32 $0x100;
	v6 =	vadd.s32 s3, v0;
	_ =	swait.ge @!p0 [sflag:s0], $0x2000  }
0xa4: {  	s17 =	simm.s32 $0x180;
	v7 =	vadd.s32 s16, v0;
	[sflag:s0] =	ssyncset.done @!p0 $0x0  }
0xa5: {  	s24 =	simm.s32 $0x200;
	v8 =	vadd.s32 s17, v0;
	[sflag:s0] =	ssyncadd.s32 @!p0 $0xFFFFE000  }
0xa6: {  	s30 =	simm.s32 $0x280;
	v9 =	vadd.s32 s24, v0;
	v4 =	vld.idx.msk [tilespmem:v4+s21+$0x0], $0xffff  }
0xa7: {  	s25 =	simm.s32 $0x300;
	v10 =	vadd.s32 s30, v0;
	v5 =	vld.idx.msk [tilespmem:v5+s21+$0x0], $0xffff  }
0xa8: {  	v11 =	vadd.s32 s25, v0;
	v6 =	vld.idx.msk [tilespmem:v6+s21+$0x0], $0xffff  }
0xa9: {  	v12 =	vadd.s32 s2, v1;
	v7 =	vld.idx.msk [tilespmem:v7+s21+$0x0], $0xffff  }
0xaa: {  	v13 =	vadd.s32 s3, v1;
	v8 =	vld.idx.msk [tilespmem:v8+s21+$0x0], $0xffff  }
0xab: {  	v14 =	vadd.s32 s16, v1;
	s7 =	simm.s32 $0x12180;
	v9 =	vld.idx.msk [tilespmem:v9+s21+$0x0], $0xffff  }
0xac: {  	v15 =	vadd.s32 s17, v1;
	v10 =	vld.idx.msk [tilespmem:v10+s21+$0x0], $0xffff;
	[tilespmem:s7+$0xC0] =	vst v4  }
0xad: {  	[tilespmem:s7+$0xFFFFFF00] =	vst v5;
	v4 =	vadd.s32 s24, v1;
	v5 =	vld.idx.msk [tilespmem:v11+s21+$0x0], $0xffff  }
0xae: {  	[tilespmem:s7+$0xFFFFFF40] =	vst v6;
	v6 =	vadd.s32 s30, v1;
	v11 =	vld.idx.msk [tilespmem:v12+s21+$0x0], $0xffff  }
0xaf: {  	[tilespmem:s7+$0xFFFFFF80] =	vst v7;
	v7 =	vadd.s32 s25, v1;
	v12 =	vld.idx.msk [tilespmem:v13+s21+$0x0], $0xffff  }
0xb0: {  	[tilespmem:s7+$0xFFFFFFC0] =	vst v8;
	v13 =	vadd.s32 s2, v2;
	v14 =	vld.idx.msk [tilespmem:v14+s21+$0x0], $0xffff  }
0xb1: {  	[tilespmem:s7+$0x0] =	vst v9;
	v9 =	vadd.s32 s16, v2;
	v8 =	vld.idx.msk [tilespmem:v15+s21+$0x0], $0xffff  }
0xb2: {  	[tilespmem:s7+$0x40] =	vst v10;
	v10 =	vadd.s32 s17, v2;
	v4 =	vld.idx.msk [tilespmem:v4+s21+$0x0], $0xffff  }
0xb3: {  	v6 =	vld.idx.msk [tilespmem:v6+s21+$0x0], $0xffff;
	[tilespmem:s7+$0x80] =	vst v5  }
0xb4: {  	s15 =	simm.s32 $0xC0;
	v5 =	vadd.s32 s24, v2;
	[tilespmem:s7+$0xFFFFFF10] =	vst v11;
	v7 =	vld.idx.msk [tilespmem:v7+s21+$0x0], $0xffff  }
0xb5: {  	s9 =	simm.s32 $0x40;
	s26 =	sor.u32 $0x50, s15;
	[tilespmem:s7+$0xFFFFFF90] =	vst v14;
	v14 =	vadd.s32 s30, v2;
	v11 =	vld.idx.msk [tilespmem:v13+s21+$0x0], $0xffff  }
0xb6: {  	s13 =	sor.u32 $0x50, s9;
	[tilespmem:s26+$0x12080] =	vst v8;
	v13 =	vadd.s32 s25, v2;
	v9 =	vld.idx.msk [tilespmem:v9+s21+$0x0], $0xffff  }
0xb7: {  	s0 =	simm.s32 $0x140;
	v15 =	vadd.s32 s3, v2;
	[tilespmem:s13+$0x12080] =	vst v12;
	v8 =	vld.idx.msk [tilespmem:v10+s21+$0x0], $0xffff  }
0xb8: {  	s14 =	sor.u32 $0x50, s0;
	v10 =	vadd.s32 s17, v3;
	[tilespmem:s7+$0x10] =	vst v4  }
0xb9: {  	v4 =	vadd.s32 s16, v3;
	[tilespmem:s14+$0x12080] =	vst v6;
	v5 =	vld.idx.msk [tilespmem:v5+s21+$0x0], $0xffff  }
0xba: {  	[tilespmem:s7+$0x90] =	vst v7;
	v7 =	vadd.s32 s24, v3;
	v14 =	vld.idx.msk [tilespmem:v14+s21+$0x0], $0xffff  }
0xbb: {  	s16 =	sor.u32 $0x60, s15;
	v6 =	vld.idx.msk [tilespmem:v13+s21+$0x0], $0xffff;
	v13 =	vadd.s32 s28, v1;
	[tilespmem:s7+$0xFFFFFFA0] =	vst v9  }
0xbc: {  	v12 =	vld.idx.msk [tilespmem:v15+s21+$0x0], $0xffff;
	[tilespmem:s16+$0x12080] =	vst v8;
	v8 =	vadd.s32 s2, v3  }
0xbd: {  	v9 =	vadd.s32 s25, v3;
	[tilespmem:s7+$0xFFFFFF20] =	vst v11;
	v10 =	vld.idx.msk [tilespmem:v10+s21+$0x0], $0xffff  }
0xbe: {  	s14 =	simm.s32 $0x500;
	s24 =	sor.u32 $0x60, s0;
	v4 =	vld.idx.msk [tilespmem:v4+s21+$0x0], $0xffff;
	[tilespmem:s7+$0x20] =	vst v5;
	v5 =	vadd.s32 s3, v3  }
0xbf: {  	s2 =	simm.s32 $0x400;
	[tilespmem:s24+$0x12080] =	vst v14;
	v14 =	vadd.s32 s14, v0;
	v7 =	vld.idx.msk [tilespmem:v7+s21+$0x0], $0xffff  }
0xc0: {  	s11 =	simm.s32 $0x480;
	s17 =	sor.u32 $0x60, s9;
	[tilespmem:s7+$0xA0] =	vst v6;
	v6 =	vld.idx.msk [tilespmem:v13+s21+$0x0], $0xffff;
	v13 =	vadd.s32 s2, v0  }
0xc1: {  	[tilespmem:s17+$0x12080] =	vst v12;
	v12 =	vadd.s32 s11, v0;
	s3 =	simm.s32 $0x780;
	v8 =	vld.idx.msk [tilespmem:v8+s21+$0x0], $0xffff  }
0xc2: {  	s25 =	sor.u32 $0x70, s15;
	s16 =	simm.s32 $0x600;
	v11 =	vadd.s32 s3, v0;
	v9 =	vld.idx.msk [tilespmem:v9+s21+$0x0], $0xffff  }
0xc3: {  	s13 =	simm.s32 $0x580;
	[tilespmem:s25+$0x12080] =	vst v10;
	v10 =	vadd.s32 s16, v0;
	v5 =	vld.idx.msk [tilespmem:v5+s21+$0x0], $0xffff  }
0xc4: {  	s8 =	simm.s32 $0x1C0;
	s10 =	simm.s32 $0x680;
	[tilespmem:s7+$0xFFFFFFB0] =	vst v4;
	v4 =	vadd.s32 s13, v0;
	v14 =	vld.idx.msk [tilespmem:v14+s21+$0x0], $0xffff  }
0xc5: {  	s26 =	sor.u32 $0x50, s8;
	s15 =	simm.s32 $0x700;
	[tilespmem:s7+$0x30] =	vst v7;
	v7 =	vld.idx.msk [tilespmem:v13+s21+$0x0], $0xffff;
	v13 =	vadd.s32 s10, v0  }
0xc6: {  	[tilespmem:s26+$0x12080] =	vst v6;
	v6 =	vld.idx.msk [tilespmem:v12+s21+$0x0], $0xffff;
	v12 =	vadd.s32 s15, v0  }
0xc7: {  	v11 =	vld.idx.msk [tilespmem:v11+s21+$0x0], $0xffff;
	[tilespmem:s7+$0xB0] =	vst v9;
	v9 =	vadd.s32 s2, v1  }
0xc8: {  	v15 =	vadd.s32 s11, v1;
	s17 =	sor.u32 $0x70, s9;
	[tilespmem:s7+$0xFFFFFF30] =	vst v8;
	v10 =	vld.idx.msk [tilespmem:v10+s21+$0x0], $0xffff  }
0xc9: {  	s9 =	simm.s32 $0x12380;
	v8 =	vadd.s32 s14, v1;
	v4 =	vld.idx.msk [tilespmem:v4+s21+$0x0], $0xffff;
	[tilespmem:s17+$0x12080] =	vst v5  }
0xca: {  	v5 =	vadd.s32 s13, v1;
	[tilespmem:s9+$0xFFFFFF80] =	vst v14;
	v13 =	vld.idx.msk [tilespmem:v13+s21+$0x0], $0xffff  }
0xcb: {  	[tilespmem:s9+$0xFFFFFF00] =	vst v7;
	v7 =	vld.idx.msk [tilespmem:v12+s21+$0x0], $0xffff;
	v12 =	vadd.s32 s16, v1  }
0xcc: {  	[tilespmem:s9+$0xFFFFFF40] =	vst v6;
	v6 =	vadd.s32 s10, v1;
	v9 =	vld.idx.msk [tilespmem:v9+s21+$0x0], $0xffff  }
0xcd: {  	v14 =	vld.idx.msk [tilespmem:v15+s21+$0x0], $0xffff;
	v15 =	vadd.s32 s15, v1;
	[tilespmem:s9+$0x0] =	vst v10  }
0xce: {  	v8 =	vld.idx.msk [tilespmem:v8+s21+$0x0], $0xffff;
	v10 =	vadd.s32 s11, v2;
	[tilespmem:s9+$0xFFFFFFC0] =	vst v4  }
0xcf: {  	v4 =	vadd.s32 s2, v2;
	v5 =	vld.idx.msk [tilespmem:v5+s21+$0x0], $0xffff;
	[tilespmem:s9+$0x40] =	vst v13  }
0xd0: {  	s25 =	simm.s32 $0x240;
	[tilespmem:s9+$0x80] =	vst v7;
	v7 =	vld.idx.msk [tilespmem:v12+s21+$0x0], $0xffff;
	v12 =	vadd.s32 s13, v2  }
0xd1: {  	s24 =	sor.u32 $0x50, s25;
	v13 =	vadd.s32 s14, v2;
	v6 =	vld.idx.msk [tilespmem:v6+s21+$0x0], $0xffff;
	[tilespmem:s9+$0xFFFFFF10] =	vst v9  }
0xd2: {  	s12 =	simm.s32 $0x2C0;
	v9 =	vadd.s32 s16, v2;
	v15 =	vld.idx.msk [tilespmem:v15+s21+$0x0], $0xffff;
	[tilespmem:s24+$0x12080] =	vst v14  }
0xd3: {  	s17 =	sor.u32 $0x50, s12;
	[tilespmem:s9+$0xFFFFFF90] =	vst v8;
	v14 =	vadd.s32 s10, v2;
	v8 =	vld.idx.msk [tilespmem:v10+s21+$0x0], $0xffff  }
0xd4: {  	s7 =	simm.s32 $0x340;
	v10 =	vadd.s32 s15, v2;
	v4 =	vld.idx.msk [tilespmem:v4+s21+$0x0], $0xffff;
	[tilespmem:s17+$0x12080] =	vst v5  }
0xd5: {  	s26 =	sor.u32 $0x50, s7;
	v5 =	vadd.s32 s28, v2;
	v16 =	vld.idx.msk [tilespmem:v12+s21+$0x0], $0xffff;
	[tilespmem:s9+$0x10] =	vst v7  }
0xd6: {  	[tilespmem:s26+$0x12080] =	vst v6;
	v6 =	vld.idx.msk [tilespmem:v13+s21+$0x0], $0xffff;
	v13 =	vadd.s32 s30, v3  }
0xd7: {  	v17 =	vadd.s32 s13, v3;
	[tilespmem:s9+$0xC0] =	vst v11;
	v11 =	vld.idx.msk [tilespmem:v9+s21+$0x0], $0xffff  }
0xd8: {  	s17 =	sor.u32 $0x60, s25;
	v7 =	vadd.s32 s14, v3;
	[tilespmem:s9+$0x90] =	vst v15;
	v18 =	vld.idx.msk [tilespmem:v14+s21+$0x0], $0xffff  }
0xd9: {  	v15 =	vadd.s32 s16, v3;
	v12 =	vld.idx.msk [tilespmem:v10+s21+$0x0], $0xffff;
	[tilespmem:s17+$0x12080] =	vst v8  }
0xda: {  	s24 =	sor.u32 $0x60, s12;
	v14 =	vadd.s32 s3, v1;
	[tilespmem:s9+$0xFFFFFF20] =	vst v4;
	v10 =	vld.idx.msk [tilespmem:v5+s21+$0x0], $0xffff  }
0xdb: {  	[tilespmem:s24+$0x12080] =	vst v16;
	v8 =	vld.idx.msk [tilespmem:v13+s21+$0x0], $0xffff;
	v13 =	vadd.s32 s15, v3  }
0xdc: {  	v4 =	vadd.s32 s28, v3;
	[tilespmem:s9+$0xFFFFFFA0] =	vst v6;
	v5 =	vld.idx.msk [tilespmem:v17+s21+$0x0], $0xffff  }
0xdd: {  	s30 =	simm.s32 $0x8;
	v9 =	vadd.s32 s2, v3;
	s26 =	sor.u32 $0x60, s7;
	[tilespmem:s9+$0x20] =	vst v11;
	v6 =	vld.idx.msk [tilespmem:v7+s21+$0x0], $0xffff  }
0xde: {  	s2 =	simm.s32 $0xB80;
	s28 =	simm.s32 $0x3C0;
	v11 =	vadd.s32 s11, v3;
	s15 =	sor.u32 $0x60, s8;
	v7 =	vld.idx.msk [tilespmem:v15+s21+$0x0], $0xffff;
	[tilespmem:s26+$0x12080] =	vst v18  }
.LBB2_5:
0xdf: {  	s11 =	sadd.s32 $0xFFFFFC80, s2;
	s14 =	sadd.s32 $0xFFFFFE00, s2;
	v15 =	vadd.s32 s2, v0;
	s30 =	sadd.s32 $0x8, s30;
	[tilespmem:s9+$0xA0] =	vst v12;
	v12 =	vld.idx.msk [tilespmem:v14+s21+$0x0], $0xffff  }
0xe0: {  	s13 =	sadd.s32 $0xFFFFFD00, s2;
	s0 =	sor.u32 $0x70, s0;
	s26 =	sor.u32 $0x70, s8;
	v14 =	vadd.s32 s11, v0;
	v16 =	vadd.s32 s14, v1;
	v13 =	vld.idx.msk [tilespmem:v13+s21+$0x0], $0xffff;
	[tilespmem:s15+$0x12080] =	vst v10  }
0xe1: {  	s8 =	smov.u32 s28;
	v10 =	vadd.s32 s13, v0;
	s15 =	sadd.s32 $0xFFFFFD80, s2;
	p2 =	slt.u32 s30, $0x78;
	[tilespmem:s0+$0x12080] =	vst v8;
	v4 =	vld.idx.msk [tilespmem:v4+s21+$0x0], $0xffff  }
0xe2: {  	s12 =	sor.u32 $0x70, s12;
	v8 =	vadd.s32 s15, v0;
	s0 =	smov.u32 s7;
	v9 =	vld.idx.msk [tilespmem:v9+s21+$0x0], $0xffff;
	[tilespmem:s9+$0xFFFFFFB0] =	vst v6  }
0xe3: {  	s16 =	sadd.s32 $0xFFFFFE80, s2;
	v6 =	vadd.s32 s14, v0;
	v11 =	vld.idx.msk [tilespmem:v11+s21+$0x0], $0xffff;
	[tilespmem:s12+$0x12080] =	vst v5  }
0xe4: {  	s24 =	sadd.s32 $0xFFFFFF00, s2;
	s7 =	sor.u32 $0x50, s28;
	v5 =	vadd.s32 s16, v0;
	v15 =	vld.idx.msk [tilespmem:v15+s21+$0x0], $0xffff;
	[tilespmem:s9+$0x30] =	vst v7  }
0xe5: {  	s17 =	sadd.s32 $0xFFFFFF80, s2;
	v7 =	vld.idx.msk [tilespmem:v14+s21+$0x0], $0xffff;
	v14 =	vadd.s32 s24, v0;
	[tilespmem:s7+$0x12080] =	vst v12  }
0xe6: {  	v12 =	vadd.s32 s17, v0;
	v10 =	vld.idx.msk [tilespmem:v10+s21+$0x0], $0xffff;
	[tilespmem:s9+$0xB0] =	vst v13  }
0xe7: {  	v13 =	vadd.s32 s11, v1;
	v8 =	vld.idx.msk [tilespmem:v8+s21+$0x0], $0xffff;
	[tilespmem:s26+$0x12080] =	vst v4  }
0xe8: {  	s7 =	sor.u32 $0x70, s25;
	v4 =	vadd.s32 s13, v1;
	v6 =	vld.idx.msk [tilespmem:v6+s21+$0x0], $0xffff;
	[tilespmem:s9+$0xFFFFFF30] =	vst v9  }
0xe9: {  	v9 =	vadd.s32 s15, v1;
	s9 =	sadd.s32 $0x200, s9;
	v5 =	vld.idx.msk [tilespmem:v5+s21+$0x0], $0xffff;
	[tilespmem:s7+$0x12080] =	vst v11  }
0xea: {  	v11 =	vld.idx.msk [tilespmem:v14+s21+$0x0], $0xffff;
	[tilespmem:s9+$0xC0] =	vst v15  }
0xeb: {  	[tilespmem:s9+$0xFFFFFF00] =	vst v7;
	v7 =	vadd.s32 s16, v1;
	v12 =	vld.idx.msk [tilespmem:v12+s21+$0x0], $0xffff  }
0xec: {  	v13 =	vld.idx.msk [tilespmem:v13+s21+$0x0], $0xffff;
	[tilespmem:s9+$0xFFFFFF40] =	vst v10;
	v10 =	vadd.s32 s24, v1  }
0xed: {  	v4 =	vld.idx.msk [tilespmem:v4+s21+$0x0], $0xffff;
	[tilespmem:s9+$0xFFFFFF80] =	vst v8;
	v8 =	vadd.s32 s17, v1  }
0xee: {  	v14 =	vadd.s32 s11, v2;
	v9 =	vld.idx.msk [tilespmem:v9+s21+$0x0], $0xffff;
	[tilespmem:s9+$0xFFFFFFC0] =	vst v6  }
0xef: {  	v6 =	vadd.s32 s13, v2;
	v15 =	vld.idx.msk [tilespmem:v16+s21+$0x0], $0xffff;
	[tilespmem:s9+$0x0] =	vst v5  }
0xf0: {  	s28 =	sadd.s32 $0x200, s28;
	v5 =	vadd.s32 s15, v2;
	v7 =	vld.idx.msk [tilespmem:v7+s21+$0x0], $0xffff;
	[tilespmem:s9+$0x40] =	vst v11  }
0xf1: {  	s25 =	sadd.s32 $0xFFFFFE80, s28;
	v11 =	vadd.s32 s14, v2;
	v10 =	vld.idx.msk [tilespmem:v10+s21+$0x0], $0xffff;
	[tilespmem:s9+$0x80] =	vst v12  }
0xf2: {  	s7 =	sor.u32 $0x50, s25;
	v12 =	vadd.s32 s16, v2;
	[tilespmem:s9+$0xFFFFFF10] =	vst v13;
	v8 =	vld.idx.msk [tilespmem:v8+s21+$0x0], $0xffff  }
0xf3: {  	s12 =	sadd.s32 $0xFFFFFF00, s28;
	v13 =	vld.idx.msk [tilespmem:v14+s21+$0x0], $0xffff;
	[tilespmem:s7+$0x12080] =	vst v4;
	v14 =	vadd.s32 s24, v2  }
0xf4: {  	v16 =	vadd.s32 s3, v2;
	s7 =	sor.u32 $0x50, s12;
	v6 =	vld.idx.msk [tilespmem:v6+s21+$0x0], $0xffff;
	[tilespmem:s9+$0xFFFFFF90] =	vst v9;
	v9 =	vadd.s32 s17, v2  }
0xf5: {  	v5 =	vld.idx.msk [tilespmem:v5+s21+$0x0], $0xffff;
	[tilespmem:s7+$0x12080] =	vst v15;
	s7 =	sadd.s32 $0xFFFFFF80, s28  }
0xf6: {  	v4 =	vadd.s32 s3, v3;
	s3 =	smov.u32 s2;
	v11 =	vld.idx.msk [tilespmem:v11+s21+$0x0], $0xffff;
	[tilespmem:s9+$0x10] =	vst v7;
	s26 =	sor.u32 $0x50, s7;
	v7 =	vadd.s32 s10, v3;
	s10 =	smov.u32 s24  }
0xf7: {  	v15 =	vadd.s32 s15, v3;
	v17 =	vld.idx.msk [tilespmem:v12+s21+$0x0], $0xffff;
	[tilespmem:s26+$0x12080] =	vst v10  }
0xf8: {  	v18 =	vadd.s32 s14, v3;
	v19 =	vld.idx.msk [tilespmem:v14+s21+$0x0], $0xffff;
	[tilespmem:s9+$0x90] =	vst v8  }
0xf9: {  	v20 =	vadd.s32 s16, v3;
	s14 =	sor.u32 $0x60, s25;
	s15 =	sor.u32 $0x60, s8;
	[tilespmem:s9+$0xFFFFFF20] =	vst v13;
	v12 =	vld.idx.msk [tilespmem:v9+s21+$0x0], $0xffff  }
.Ltmp1:
0xfa: {  	v14 =	vadd.s32 s2, v1;
	[tilespmem:s14+$0x12080] =	vst v6;
	v10 =	vld.idx.msk [tilespmem:v16+s21+$0x0], $0xffff;
	(pc) =	sbr.rel @p2 .LBB2_5-.Ltmp1, $4  }
0xfb: {  	v13 =	vadd.s32 s17, v3;
	s14 =	sor.u32 $0x60, s12;
	[tilespmem:s9+$0xFFFFFFA0] =	vst v5;
	v8 =	vld.idx.msk [tilespmem:v7+s21+$0x0], $0xffff  }
0xfc: {  	v6 =	vld.idx.msk [tilespmem:v15+s21+$0x0], $0xffff;
	[tilespmem:s14+$0x12080] =	vst v11  }
0xfd: {  	v9 =	vadd.s32 s11, v3;
	s11 =	sor.u32 $0x60, s7;
	v5 =	vld.idx.msk [tilespmem:v18+s21+$0x0], $0xffff;
	[tilespmem:s9+$0x20] =	vst v17  }
0xfe: {  	s2 =	sadd.s32 $0x400, s2;
	v11 =	vadd.s32 s13, v3;
	v7 =	vld.idx.msk [tilespmem:v20+s21+$0x0], $0xffff;
	[tilespmem:s11+$0x12080] =	vst v19  }
0xff: {  	_ =	sdelay $0x3  }
0x100: {  	v14 =	vld.idx.msk [tilespmem:v14+s21+$0x0], $0xffff  }
0x101: {  	v15 =	vadd.s32 s3, v2  }
0x102: {  	[tilespmem:s9+$0xA0] =	vst v12  }
0x103: {  	s0 =	sor.u32 $0x70, s0;
	[tilespmem:s15+$0x12080] =	vst v10  }
0x104: {  	s2 =	sor.u32 $0x50, s28;
	v13 =	vld.idx.msk [tilespmem:v13+s21+$0x0], $0xffff;
	[tilespmem:s0+$0x12080] =	vst v8  }
0x105: {  	v4 =	vld.idx.msk [tilespmem:v4+s21+$0x0], $0xffff;
	[tilespmem:s2+$0x12080] =	vst v14  }
0x106: {  	v10 =	vadd.s32 s10, v3;
	s13 =	sor.u32 $0x70, s12;
	[tilespmem:s9+$0xFFFFFFB0] =	vst v6;
	v12 =	vld.idx.msk [tilespmem:v15+s21+$0x0], $0xffff  }
0x107: {  	v8 =	vadd.s32 s3, v3;
	v6 =	vld.idx.msk [tilespmem:v9+s21+$0x0], $0xffff;
	[tilespmem:s13+$0x12080] =	vst v5  }
0x108: {  	v5 =	vld.idx.msk [tilespmem:v11+s21+$0x0], $0xffff;
	[tilespmem:s9+$0x30] =	vst v7  }
0x109: {  	s15 =	sor.u32 $0x70, s8;
	[tilespmem:s9+$0xB0] =	vst v13  }
0x10a: {  	s14 =	sor.u32 $0x60, s28;
	[tilespmem:s15+$0x12080] =	vst v4  }
0x10b: {  	v7 =	vld.idx.msk [tilespmem:v10+s21+$0x0], $0xffff;
	[tilespmem:s14+$0x12080] =	vst v12  }
0x10c: {  	s16 =	sor.u32 $0x70, s25;
	[tilespmem:s9+$0xFFFFFF30] =	vst v6;
	v8 =	vld.idx.msk [tilespmem:v8+s21+$0x0], $0xffff  }
0x10d: {  	[tilespmem:s16+$0x12080] =	vst v5  }
0x10e: {  	s2 =	rddreg [dreg:$0xa]  }
0x10f: {  	s17 =	sor.u32 $0x70, s7;
	s2 =	sadd.s32 @!p1 s6, s2  }
0x110: {  	s24 =	sor.u32 $0x70, s28;
	[tilespmem:s17+$0x12080] =	vst v7;
	s0 =	sshrl.u32 @!p1 s2, $0x3  }
0x111: {  	s3 =	simm.s32 @!p1 $0x4080;
	s2 =	simm.s32 @!p1 $0x0;
	s0 =	sadd.s32 @!p1 s1, s0;
	[tilespmem:s24+$0x12080] =	vst v8  }
0x112: {  	[tilespmem:s3], [sflag:$0x2] =	stream.linear.gather @!p1 [hbm4b:s0+s2], $0x4000, $0x38;
	[tilespmem:$0x18080] =	vst v63  }
0x113: {  	s25 =	rddreg [dreg:$0xb]  }
0x114: {  	s0 =	sadd.s32 s19, s25  }
0x115: {  	s0 =	sshrl.u32 s0, $0x3  }
0x116: {  	s26 =	simm.s32 $0x12080;
	s0 =	sadd.s32 s5, s0  }
0x117: {  	[hbm4b:s0+s4] =	stream.linear.scatter [tilespmem:s26], [sflag:$0x6], $0x2000, $0x38;
	[tilespmem:$0x18080] =	vst v63  }
0x118: {  	s28 =	simm.s32 $0x380;
	_ =	swait.ge [sflag:s29], $0x4000  }
0x119: {  	v4 =	vadd.s32 s28, v0;
	s3 =	simm.s32 $0x0;
	[sflag:s29] =	ssyncset.done $0x0  }
0x11a: {  	s15 =	simm.s32 $0x80;
	v5 =	vadd.s32 s3, v0;
	s0 =	simm.s32 @!p0 $0x7;
	[sflag:s29] =	ssyncadd.s32 $0xFFFFC000  }
0x11b: {  	v6 =	vadd.s32 s15, v0;
	s16 =	simm.s32 $0x100;
	_ =	swait.ge @!p0 [sflag:s0], $0x2000  }
0x11c: {  	s17 =	simm.s32 $0x180;
	v7 =	vadd.s32 s16, v0;
	[sflag:s0] =	ssyncset.done @!p0 $0x0  }
0x11d: {  	s11 =	simm.s32 $0x200;
	v8 =	vadd.s32 s17, v0;
	[sflag:s0] =	ssyncadd.s32 @!p0 $0xFFFFE000  }
0x11e: {  	s30 =	simm.s32 $0x280;
	v9 =	vadd.s32 s11, v0;
	v4 =	vld.idx.msk [tilespmem:v4+s22+$0x0], $0xffff  }
0x11f: {  	v10 =	vadd.s32 s30, v0;
	s24 =	simm.s32 $0x300;
	v5 =	vld.idx.msk [tilespmem:v5+s22+$0x0], $0xffff  }
0x120: {  	v11 =	vadd.s32 s24, v0;
	v6 =	vld.idx.msk [tilespmem:v6+s22+$0x0], $0xffff  }
0x121: {  	v12 =	vadd.s32 s3, v1;
	v7 =	vld.idx.msk [tilespmem:v7+s22+$0x0], $0xffff  }
0x122: {  	v13 =	vadd.s32 s15, v1;
	v8 =	vld.idx.msk [tilespmem:v8+s22+$0x0], $0xffff  }
0x123: {  	s7 =	simm.s32 $0x14180;
	v14 =	vadd.s32 s16, v1;
	v9 =	vld.idx.msk [tilespmem:v9+s22+$0x0], $0xffff  }
0x124: {  	v15 =	vadd.s32 s17, v1;
	v10 =	vld.idx.msk [tilespmem:v10+s22+$0x0], $0xffff;
	[tilespmem:s7+$0xC0] =	vst v4  }
0x125: {  	[tilespmem:s7+$0xFFFFFF00] =	vst v5;
	v4 =	vadd.s32 s11, v1;
	v5 =	vld.idx.msk [tilespmem:v11+s22+$0x0], $0xffff  }
0x126: {  	[tilespmem:s7+$0xFFFFFF40] =	vst v6;
	v6 =	vadd.s32 s30, v1;
	v11 =	vld.idx.msk [tilespmem:v12+s22+$0x0], $0xffff  }
0x127: {  	[tilespmem:s7+$0xFFFFFF80] =	vst v7;
	v7 =	vadd.s32 s24, v1;
	v12 =	vld.idx.msk [tilespmem:v13+s22+$0x0], $0xffff  }
0x128: {  	[tilespmem:s7+$0xFFFFFFC0] =	vst v8;
	v13 =	vadd.s32 s3, v2;
	v14 =	vld.idx.msk [tilespmem:v14+s22+$0x0], $0xffff  }
0x129: {  	[tilespmem:s7+$0x0] =	vst v9;
	v9 =	vadd.s32 s16, v2;
	v8 =	vld.idx.msk [tilespmem:v15+s22+$0x0], $0xffff  }
0x12a: {  	[tilespmem:s7+$0x40] =	vst v10;
	v10 =	vadd.s32 s17, v2;
	v4 =	vld.idx.msk [tilespmem:v4+s22+$0x0], $0xffff  }
0x12b: {  	v6 =	vld.idx.msk [tilespmem:v6+s22+$0x0], $0xffff;
	[tilespmem:s7+$0x80] =	vst v5  }
0x12c: {  	s25 =	simm.s32 $0xC0;
	v5 =	vadd.s32 s11, v2;
	[tilespmem:s7+$0xFFFFFF10] =	vst v11;
	v7 =	vld.idx.msk [tilespmem:v7+s22+$0x0], $0xffff  }
0x12d: {  	s9 =	simm.s32 $0x40;
	s26 =	sor.u32 $0x50, s25;
	[tilespmem:s7+$0xFFFFFF90] =	vst v14;
	v14 =	vadd.s32 s30, v2;
	v11 =	vld.idx.msk [tilespmem:v13+s22+$0x0], $0xffff  }
0x12e: {  	s13 =	sor.u32 $0x50, s9;
	[tilespmem:s26+$0x14080] =	vst v8;
	v13 =	vadd.s32 s24, v2;
	v9 =	vld.idx.msk [tilespmem:v9+s22+$0x0], $0xffff  }
0x12f: {  	s0 =	simm.s32 $0x140;
	v15 =	vadd.s32 s15, v2;
	[tilespmem:s13+$0x14080] =	vst v12;
	v8 =	vld.idx.msk [tilespmem:v10+s22+$0x0], $0xffff  }
0x130: {  	s14 =	sor.u32 $0x50, s0;
	v10 =	vadd.s32 s17, v3;
	[tilespmem:s7+$0x10] =	vst v4  }
0x131: {  	v4 =	vadd.s32 s16, v3;
	[tilespmem:s14+$0x14080] =	vst v6;
	v5 =	vld.idx.msk [tilespmem:v5+s22+$0x0], $0xffff  }
0x132: {  	[tilespmem:s7+$0x90] =	vst v7;
	v7 =	vadd.s32 s11, v3;
	v14 =	vld.idx.msk [tilespmem:v14+s22+$0x0], $0xffff  }
0x133: {  	s16 =	sor.u32 $0x60, s25;
	v6 =	vld.idx.msk [tilespmem:v13+s22+$0x0], $0xffff;
	v13 =	vadd.s32 s28, v1;
	[tilespmem:s7+$0xFFFFFFA0] =	vst v9  }
0x134: {  	v12 =	vld.idx.msk [tilespmem:v15+s22+$0x0], $0xffff;
	[tilespmem:s16+$0x14080] =	vst v8;
	v8 =	vadd.s32 s3, v3  }
0x135: {  	v9 =	vadd.s32 s24, v3;
	[tilespmem:s7+$0xFFFFFF20] =	vst v11;
	v10 =	vld.idx.msk [tilespmem:v10+s22+$0x0], $0xffff  }
0x136: {  	s14 =	simm.s32 $0x500;
	s24 =	sor.u32 $0x60, s0;
	v4 =	vld.idx.msk [tilespmem:v4+s22+$0x0], $0xffff;
	[tilespmem:s7+$0x20] =	vst v5;
	v5 =	vadd.s32 s15, v3  }
0x137: {  	s2 =	simm.s32 $0x400;
	[tilespmem:s24+$0x14080] =	vst v14;
	v14 =	vadd.s32 s14, v0;
	v7 =	vld.idx.msk [tilespmem:v7+s22+$0x0], $0xffff  }
0x138: {  	s17 =	sor.u32 $0x60, s9;
	s11 =	simm.s32 $0x480;
	[tilespmem:s7+$0xA0] =	vst v6;
	v6 =	vld.idx.msk [tilespmem:v13+s22+$0x0], $0xffff;
	v13 =	vadd.s32 s2, v0  }
0x139: {  	s3 =	simm.s32 $0x780;
	[tilespmem:s17+$0x14080] =	vst v12;
	v12 =	vadd.s32 s11, v0;
	v8 =	vld.idx.msk [tilespmem:v8+s22+$0x0], $0xffff  }
0x13a: {  	s25 =	sor.u32 $0x70, s25;
	s16 =	simm.s32 $0x600;
	v11 =	vadd.s32 s3, v0;
	v9 =	vld.idx.msk [tilespmem:v9+s22+$0x0], $0xffff  }
0x13b: {  	s13 =	simm.s32 $0x580;
	[tilespmem:s25+$0x14080] =	vst v10;
	v10 =	vadd.s32 s16, v0;
	v5 =	vld.idx.msk [tilespmem:v5+s22+$0x0], $0xffff  }
0x13c: {  	s8 =	simm.s32 $0x1C0;
	s10 =	simm.s32 $0x680;
	[tilespmem:s7+$0xFFFFFFB0] =	vst v4;
	v4 =	vadd.s32 s13, v0;
	v14 =	vld.idx.msk [tilespmem:v14+s22+$0x0], $0xffff  }
0x13d: {  	s26 =	sor.u32 $0x50, s8;
	s15 =	simm.s32 $0x700;
	[tilespmem:s7+$0x30] =	vst v7;
	v7 =	vld.idx.msk [tilespmem:v13+s22+$0x0], $0xffff;
	v13 =	vadd.s32 s10, v0  }
0x13e: {  	[tilespmem:s26+$0x14080] =	vst v6;
	v6 =	vld.idx.msk [tilespmem:v12+s22+$0x0], $0xffff;
	v12 =	vadd.s32 s15, v0  }
0x13f: {  	v11 =	vld.idx.msk [tilespmem:v11+s22+$0x0], $0xffff;
	[tilespmem:s7+$0xB0] =	vst v9;
	v9 =	vadd.s32 s2, v1  }
0x140: {  	v15 =	vadd.s32 s11, v1;
	s17 =	sor.u32 $0x70, s9;
	[tilespmem:s7+$0xFFFFFF30] =	vst v8;
	v10 =	vld.idx.msk [tilespmem:v10+s22+$0x0], $0xffff  }
0x141: {  	s9 =	simm.s32 $0x14380;
	v8 =	vadd.s32 s14, v1;
	v4 =	vld.idx.msk [tilespmem:v4+s22+$0x0], $0xffff;
	[tilespmem:s17+$0x14080] =	vst v5  }
0x142: {  	v5 =	vadd.s32 s13, v1;
	[tilespmem:s9+$0xFFFFFF80] =	vst v14;
	v13 =	vld.idx.msk [tilespmem:v13+s22+$0x0], $0xffff  }
0x143: {  	[tilespmem:s9+$0xFFFFFF00] =	vst v7;
	v7 =	vld.idx.msk [tilespmem:v12+s22+$0x0], $0xffff;
	v12 =	vadd.s32 s16, v1  }
0x144: {  	[tilespmem:s9+$0xFFFFFF40] =	vst v6;
	v6 =	vadd.s32 s10, v1;
	v9 =	vld.idx.msk [tilespmem:v9+s22+$0x0], $0xffff  }
0x145: {  	v14 =	vld.idx.msk [tilespmem:v15+s22+$0x0], $0xffff;
	v15 =	vadd.s32 s15, v1;
	[tilespmem:s9+$0x0] =	vst v10  }
0x146: {  	v8 =	vld.idx.msk [tilespmem:v8+s22+$0x0], $0xffff;
	v10 =	vadd.s32 s11, v2;
	[tilespmem:s9+$0xFFFFFFC0] =	vst v4  }
0x147: {  	v4 =	vadd.s32 s2, v2;
	v5 =	vld.idx.msk [tilespmem:v5+s22+$0x0], $0xffff;
	[tilespmem:s9+$0x40] =	vst v13  }
0x148: {  	s25 =	simm.s32 $0x240;
	[tilespmem:s9+$0x80] =	vst v7;
	v7 =	vld.idx.msk [tilespmem:v12+s22+$0x0], $0xffff;
	v12 =	vadd.s32 s13, v2  }
0x149: {  	s24 =	sor.u32 $0x50, s25;
	v13 =	vadd.s32 s14, v2;
	v6 =	vld.idx.msk [tilespmem:v6+s22+$0x0], $0xffff;
	[tilespmem:s9+$0xFFFFFF10] =	vst v9  }
0x14a: {  	s7 =	simm.s32 $0x2C0;
	v9 =	vadd.s32 s16, v2;
	v15 =	vld.idx.msk [tilespmem:v15+s22+$0x0], $0xffff;
	[tilespmem:s24+$0x14080] =	vst v14  }
0x14b: {  	s17 =	sor.u32 $0x50, s7;
	[tilespmem:s9+$0xFFFFFF90] =	vst v8;
	v14 =	vadd.s32 s10, v2;
	v8 =	vld.idx.msk [tilespmem:v10+s22+$0x0], $0xffff  }
0x14c: {  	s12 =	simm.s32 $0x340;
	v10 =	vadd.s32 s15, v2;
	v4 =	vld.idx.msk [tilespmem:v4+s22+$0x0], $0xffff;
	[tilespmem:s17+$0x14080] =	vst v5  }
0x14d: {  	s26 =	sor.u32 $0x50, s12;
	v5 =	vadd.s32 s28, v2;
	v16 =	vld.idx.msk [tilespmem:v12+s22+$0x0], $0xffff;
	[tilespmem:s9+$0x10] =	vst v7  }
0x14e: {  	[tilespmem:s26+$0x14080] =	vst v6;
	v6 =	vld.idx.msk [tilespmem:v13+s22+$0x0], $0xffff;
	v13 =	vadd.s32 s30, v3  }
0x14f: {  	v17 =	vadd.s32 s13, v3;
	[tilespmem:s9+$0xC0] =	vst v11;
	v11 =	vld.idx.msk [tilespmem:v9+s22+$0x0], $0xffff  }
0x150: {  	s17 =	sor.u32 $0x60, s25;
	v7 =	vadd.s32 s14, v3;
	[tilespmem:s9+$0x90] =	vst v15;
	v18 =	vld.idx.msk [tilespmem:v14+s22+$0x0], $0xffff  }
0x151: {  	v15 =	vadd.s32 s16, v3;
	v12 =	vld.idx.msk [tilespmem:v10+s22+$0x0], $0xffff;
	[tilespmem:s17+$0x14080] =	vst v8  }
0x152: {  	s24 =	sor.u32 $0x60, s7;
	v14 =	vadd.s32 s3, v1;
	[tilespmem:s9+$0xFFFFFF20] =	vst v4;
	v10 =	vld.idx.msk [tilespmem:v5+s22+$0x0], $0xffff  }
0x153: {  	[tilespmem:s24+$0x14080] =	vst v16;
	v8 =	vld.idx.msk [tilespmem:v13+s22+$0x0], $0xffff;
	v13 =	vadd.s32 s15, v3  }
0x154: {  	v4 =	vadd.s32 s28, v3;
	[tilespmem:s9+$0xFFFFFFA0] =	vst v6;
	v5 =	vld.idx.msk [tilespmem:v17+s22+$0x0], $0xffff  }
0x155: {  	s30 =	simm.s32 $0x8;
	v9 =	vadd.s32 s2, v3;
	s26 =	sor.u32 $0x60, s12;
	[tilespmem:s9+$0x20] =	vst v11;
	v6 =	vld.idx.msk [tilespmem:v7+s22+$0x0], $0xffff  }
0x156: {  	s2 =	simm.s32 $0xB80;
	s28 =	simm.s32 $0x3C0;
	v11 =	vadd.s32 s11, v3;
	s15 =	sor.u32 $0x60, s8;
	v7 =	vld.idx.msk [tilespmem:v15+s22+$0x0], $0xffff;
	[tilespmem:s26+$0x14080] =	vst v18  }
.LBB2_7:
0x157: {  	s11 =	sadd.s32 $0xFFFFFC80, s2;
	s14 =	sadd.s32 $0xFFFFFE00, s2;
	v15 =	vadd.s32 s2, v0;
	s30 =	sadd.s32 $0x8, s30;
	[tilespmem:s9+$0xA0] =	vst v12;
	v12 =	vld.idx.msk [tilespmem:v14+s22+$0x0], $0xffff  }
0x158: {  	s13 =	sadd.s32 $0xFFFFFD00, s2;
	s0 =	sor.u32 $0x70, s0;
	s26 =	sor.u32 $0x70, s8;
	v14 =	vadd.s32 s11, v0;
	v16 =	vadd.s32 s14, v1;
	v13 =	vld.idx.msk [tilespmem:v13+s22+$0x0], $0xffff;
	[tilespmem:s15+$0x14080] =	vst v10  }
0x159: {  	s8 =	smov.u32 s28;
	v10 =	vadd.s32 s13, v0;
	s15 =	sadd.s32 $0xFFFFFD80, s2;
	p2 =	slt.u32 s30, $0x78;
	[tilespmem:s0+$0x14080] =	vst v8;
	v4 =	vld.idx.msk [tilespmem:v4+s22+$0x0], $0xffff  }
0x15a: {  	s7 =	sor.u32 $0x70, s7;
	v8 =	vadd.s32 s15, v0;
	s0 =	smov.u32 s12;
	v9 =	vld.idx.msk [tilespmem:v9+s22+$0x0], $0xffff;
	[tilespmem:s9+$0xFFFFFFB0] =	vst v6  }
0x15b: {  	s16 =	sadd.s32 $0xFFFFFE80, s2;
	v6 =	vadd.s32 s14, v0;
	v11 =	vld.idx.msk [tilespmem:v11+s22+$0x0], $0xffff;
	[tilespmem:s7+$0x14080] =	vst v5  }
0x15c: {  	s24 =	sadd.s32 $0xFFFFFF00, s2;
	v5 =	vadd.s32 s16, v0;
	s7 =	sor.u32 $0x50, s28;
	v15 =	vld.idx.msk [tilespmem:v15+s22+$0x0], $0xffff;
	[tilespmem:s9+$0x30] =	vst v7  }
0x15d: {  	s17 =	sadd.s32 $0xFFFFFF80, s2;
	v7 =	vld.idx.msk [tilespmem:v14+s22+$0x0], $0xffff;
	v14 =	vadd.s32 s24, v0;
	[tilespmem:s7+$0x14080] =	vst v12  }
0x15e: {  	v12 =	vadd.s32 s17, v0;
	v10 =	vld.idx.msk [tilespmem:v10+s22+$0x0], $0xffff;
	[tilespmem:s9+$0xB0] =	vst v13  }
0x15f: {  	v13 =	vadd.s32 s11, v1;
	v8 =	vld.idx.msk [tilespmem:v8+s22+$0x0], $0xffff;
	[tilespmem:s26+$0x14080] =	vst v4  }
0x160: {  	s7 =	sor.u32 $0x70, s25;
	v4 =	vadd.s32 s13, v1;
	v6 =	vld.idx.msk [tilespmem:v6+s22+$0x0], $0xffff;
	[tilespmem:s9+$0xFFFFFF30] =	vst v9  }
0x161: {  	v9 =	vadd.s32 s15, v1;
	s9 =	sadd.s32 $0x200, s9;
	v5 =	vld.idx.msk [tilespmem:v5+s22+$0x0], $0xffff;
	[tilespmem:s7+$0x14080] =	vst v11  }
0x162: {  	v11 =	vld.idx.msk [tilespmem:v14+s22+$0x0], $0xffff;
	[tilespmem:s9+$0xC0] =	vst v15  }
0x163: {  	[tilespmem:s9+$0xFFFFFF00] =	vst v7;
	v7 =	vadd.s32 s16, v1;
	v12 =	vld.idx.msk [tilespmem:v12+s22+$0x0], $0xffff  }
0x164: {  	v13 =	vld.idx.msk [tilespmem:v13+s22+$0x0], $0xffff;
	[tilespmem:s9+$0xFFFFFF40] =	vst v10;
	v10 =	vadd.s32 s24, v1  }
0x165: {  	v4 =	vld.idx.msk [tilespmem:v4+s22+$0x0], $0xffff;
	[tilespmem:s9+$0xFFFFFF80] =	vst v8;
	v8 =	vadd.s32 s17, v1  }
0x166: {  	v14 =	vadd.s32 s11, v2;
	v9 =	vld.idx.msk [tilespmem:v9+s22+$0x0], $0xffff;
	[tilespmem:s9+$0xFFFFFFC0] =	vst v6  }
0x167: {  	v6 =	vadd.s32 s13, v2;
	v15 =	vld.idx.msk [tilespmem:v16+s22+$0x0], $0xffff;
	[tilespmem:s9+$0x0] =	vst v5  }
0x168: {  	s28 =	sadd.s32 $0x200, s28;
	v5 =	vadd.s32 s15, v2;
	v7 =	vld.idx.msk [tilespmem:v7+s22+$0x0], $0xffff;
	[tilespmem:s9+$0x40] =	vst v11  }
0x169: {  	s25 =	sadd.s32 $0xFFFFFE80, s28;
	v11 =	vadd.s32 s14, v2;
	v10 =	vld.idx.msk [tilespmem:v10+s22+$0x0], $0xffff;
	[tilespmem:s9+$0x80] =	vst v12  }
0x16a: {  	s7 =	sor.u32 $0x50, s25;
	v12 =	vadd.s32 s16, v2;
	[tilespmem:s9+$0xFFFFFF10] =	vst v13;
	v8 =	vld.idx.msk [tilespmem:v8+s22+$0x0], $0xffff  }
0x16b: {  	v13 =	vld.idx.msk [tilespmem:v14+s22+$0x0], $0xffff;
	[tilespmem:s7+$0x14080] =	vst v4;
	s7 =	sadd.s32 $0xFFFFFF00, s28;
	v14 =	vadd.s32 s24, v2  }
0x16c: {  	v16 =	vadd.s32 s3, v2;
	v6 =	vld.idx.msk [tilespmem:v6+s22+$0x0], $0xffff;
	[tilespmem:s9+$0xFFFFFF90] =	vst v9;
	s12 =	sor.u32 $0x50, s7;
	v9 =	vadd.s32 s17, v2  }
0x16d: {  	v5 =	vld.idx.msk [tilespmem:v5+s22+$0x0], $0xffff;
	[tilespmem:s12+$0x14080] =	vst v15;
	s12 =	sadd.s32 $0xFFFFFF80, s28  }
0x16e: {  	v4 =	vadd.s32 s3, v3;
	s3 =	smov.u32 s2;
	v11 =	vld.idx.msk [tilespmem:v11+s22+$0x0], $0xffff;
	[tilespmem:s9+$0x10] =	vst v7;
	s26 =	sor.u32 $0x50, s12;
	v7 =	vadd.s32 s10, v3;
	s10 =	smov.u32 s24  }
0x16f: {  	v15 =	vadd.s32 s15, v3;
	v17 =	vld.idx.msk [tilespmem:v12+s22+$0x0], $0xffff;
	[tilespmem:s26+$0x14080] =	vst v10  }
0x170: {  	v18 =	vadd.s32 s14, v3;
	v19 =	vld.idx.msk [tilespmem:v14+s22+$0x0], $0xffff;
	[tilespmem:s9+$0x90] =	vst v8  }
0x171: {  	v20 =	vadd.s32 s16, v3;
	s14 =	sor.u32 $0x60, s25;
	s15 =	sor.u32 $0x60, s8;
	[tilespmem:s9+$0xFFFFFF20] =	vst v13;
	v12 =	vld.idx.msk [tilespmem:v9+s22+$0x0], $0xffff  }
.Ltmp2:
0x172: {  	v14 =	vadd.s32 s2, v1;
	[tilespmem:s14+$0x14080] =	vst v6;
	v10 =	vld.idx.msk [tilespmem:v16+s22+$0x0], $0xffff;
	(pc) =	sbr.rel @p2 .LBB2_7-.Ltmp2, $4  }
0x173: {  	v13 =	vadd.s32 s17, v3;
	s14 =	sor.u32 $0x60, s7;
	[tilespmem:s9+$0xFFFFFFA0] =	vst v5;
	v8 =	vld.idx.msk [tilespmem:v7+s22+$0x0], $0xffff  }
0x174: {  	v6 =	vld.idx.msk [tilespmem:v15+s22+$0x0], $0xffff;
	[tilespmem:s14+$0x14080] =	vst v11  }
0x175: {  	v9 =	vadd.s32 s11, v3;
	s11 =	sor.u32 $0x60, s12;
	v5 =	vld.idx.msk [tilespmem:v18+s22+$0x0], $0xffff;
	[tilespmem:s9+$0x20] =	vst v17  }
0x176: {  	s2 =	sadd.s32 $0x400, s2;
	v11 =	vadd.s32 s13, v3;
	v7 =	vld.idx.msk [tilespmem:v20+s22+$0x0], $0xffff;
	[tilespmem:s11+$0x14080] =	vst v19  }
0x177: {  	_ =	sdelay $0x3  }
0x178: {  	v14 =	vld.idx.msk [tilespmem:v14+s22+$0x0], $0xffff  }
0x179: {  	v15 =	vadd.s32 s3, v2  }
0x17a: {  	[tilespmem:s9+$0xA0] =	vst v12  }
0x17b: {  	s0 =	sor.u32 $0x70, s0;
	[tilespmem:s15+$0x14080] =	vst v10  }
0x17c: {  	s2 =	sor.u32 $0x50, s28;
	v13 =	vld.idx.msk [tilespmem:v13+s22+$0x0], $0xffff;
	[tilespmem:s0+$0x14080] =	vst v8  }
0x17d: {  	v4 =	vld.idx.msk [tilespmem:v4+s22+$0x0], $0xffff;
	[tilespmem:s2+$0x14080] =	vst v14  }
0x17e: {  	v10 =	vadd.s32 s10, v3;
	s13 =	sor.u32 $0x70, s7;
	[tilespmem:s9+$0xFFFFFFB0] =	vst v6;
	v12 =	vld.idx.msk [tilespmem:v15+s22+$0x0], $0xffff  }
0x17f: {  	v8 =	vadd.s32 s3, v3;
	v6 =	vld.idx.msk [tilespmem:v9+s22+$0x0], $0xffff;
	[tilespmem:s13+$0x14080] =	vst v5  }
0x180: {  	v5 =	vld.idx.msk [tilespmem:v11+s22+$0x0], $0xffff;
	[tilespmem:s9+$0x30] =	vst v7  }
0x181: {  	s15 =	sor.u32 $0x70, s8;
	[tilespmem:s9+$0xB0] =	vst v13  }
0x182: {  	s14 =	sor.u32 $0x60, s28;
	[tilespmem:s15+$0x14080] =	vst v4  }
0x183: {  	v7 =	vld.idx.msk [tilespmem:v10+s22+$0x0], $0xffff;
	[tilespmem:s14+$0x14080] =	vst v12  }
0x184: {  	s16 =	sor.u32 $0x70, s25;
	[tilespmem:s9+$0xFFFFFF30] =	vst v6;
	v8 =	vld.idx.msk [tilespmem:v8+s22+$0x0], $0xffff  }
0x185: {  	[tilespmem:s16+$0x14080] =	vst v5  }
0x186: {  	s2 =	rddreg [dreg:$0xc]  }
0x187: {  	s17 =	sor.u32 $0x70, s12;
	s2 =	sadd.s32 @!p1 s6, s2  }
0x188: {  	s24 =	sor.u32 $0x70, s28;
	[tilespmem:s17+$0x14080] =	vst v7;
	s0 =	sshrl.u32 @!p1 s2, $0x3  }
0x189: {  	s3 =	simm.s32 @!p1 $0x8080;
	s2 =	simm.s32 @!p1 $0x0;
	s0 =	sadd.s32 @!p1 s1, s0;
	[tilespmem:s24+$0x14080] =	vst v8  }
0x18a: {  	[tilespmem:s3], [sflag:$0x3] =	stream.linear.gather @!p1 [hbm4b:s0+s2], $0x4000, $0x38;
	[tilespmem:$0x18080] =	vst v63  }
0x18b: {  	s25 =	rddreg [dreg:$0xd]  }
0x18c: {  	s0 =	sadd.s32 s19, s25  }
0x18d: {  	s0 =	sshrl.u32 s0, $0x3  }
0x18e: {  	s26 =	simm.s32 $0x14080;
	s0 =	sadd.s32 s5, s0  }
0x18f: {  	[hbm4b:s0+s4] =	stream.linear.scatter [tilespmem:s26], [sflag:$0x7], $0x2000, $0x38;
	[tilespmem:$0x18080] =	vst v63  }
0x190: {  	s28 =	simm.s32 $0x380;
	_ =	swait.ge [sflag:s31], $0x4000  }
0x191: {  	v4 =	vadd.s32 s28, v0;
	s3 =	simm.s32 $0x0;
	[sflag:s31] =	ssyncset.done $0x0  }
0x192: {  	s15 =	simm.s32 $0x80;
	v5 =	vadd.s32 s3, v0;
	s0 =	simm.s32 @!p0 $0x8;
	[sflag:s31] =	ssyncadd.s32 $0xFFFFC000  }
0x193: {  	v6 =	vadd.s32 s15, v0;
	s16 =	simm.s32 $0x100;
	_ =	swait.ge @!p0 [sflag:s0], $0x2000  }
0x194: {  	s17 =	simm.s32 $0x180;
	v7 =	vadd.s32 s16, v0;
	[sflag:s0] =	ssyncset.done @!p0 $0x0  }
0x195: {  	s11 =	simm.s32 $0x200;
	v8 =	vadd.s32 s17, v0;
	[sflag:s0] =	ssyncadd.s32 @!p0 $0xFFFFE000  }
0x196: {  	s30 =	simm.s32 $0x280;
	v9 =	vadd.s32 s11, v0;
	v4 =	vld.idx.msk [tilespmem:v4+s23+$0x0], $0xffff  }
0x197: {  	v10 =	vadd.s32 s30, v0;
	s24 =	simm.s32 $0x300;
	v5 =	vld.idx.msk [tilespmem:v5+s23+$0x0], $0xffff  }
0x198: {  	v11 =	vadd.s32 s24, v0;
	v6 =	vld.idx.msk [tilespmem:v6+s23+$0x0], $0xffff  }
0x199: {  	v12 =	vadd.s32 s3, v1;
	v7 =	vld.idx.msk [tilespmem:v7+s23+$0x0], $0xffff  }
0x19a: {  	v13 =	vadd.s32 s15, v1;
	v8 =	vld.idx.msk [tilespmem:v8+s23+$0x0], $0xffff  }
0x19b: {  	s7 =	simm.s32 $0x16180;
	v14 =	vadd.s32 s16, v1;
	v9 =	vld.idx.msk [tilespmem:v9+s23+$0x0], $0xffff  }
0x19c: {  	v15 =	vadd.s32 s17, v1;
	v10 =	vld.idx.msk [tilespmem:v10+s23+$0x0], $0xffff;
	[tilespmem:s7+$0xC0] =	vst v4  }
0x19d: {  	[tilespmem:s7+$0xFFFFFF00] =	vst v5;
	v4 =	vadd.s32 s11, v1;
	v5 =	vld.idx.msk [tilespmem:v11+s23+$0x0], $0xffff  }
0x19e: {  	[tilespmem:s7+$0xFFFFFF40] =	vst v6;
	v6 =	vadd.s32 s30, v1;
	v11 =	vld.idx.msk [tilespmem:v12+s23+$0x0], $0xffff  }
0x19f: {  	[tilespmem:s7+$0xFFFFFF80] =	vst v7;
	v7 =	vadd.s32 s24, v1;
	v12 =	vld.idx.msk [tilespmem:v13+s23+$0x0], $0xffff  }
0x1a0: {  	[tilespmem:s7+$0xFFFFFFC0] =	vst v8;
	v13 =	vadd.s32 s3, v2;
	v14 =	vld.idx.msk [tilespmem:v14+s23+$0x0], $0xffff  }
0x1a1: {  	[tilespmem:s7+$0x0] =	vst v9;
	v9 =	vadd.s32 s16, v2;
	v8 =	vld.idx.msk [tilespmem:v15+s23+$0x0], $0xffff  }
0x1a2: {  	[tilespmem:s7+$0x40] =	vst v10;
	v10 =	vadd.s32 s17, v2;
	v4 =	vld.idx.msk [tilespmem:v4+s23+$0x0], $0xffff  }
0x1a3: {  	v6 =	vld.idx.msk [tilespmem:v6+s23+$0x0], $0xffff;
	[tilespmem:s7+$0x80] =	vst v5  }
0x1a4: {  	s25 =	simm.s32 $0xC0;
	v5 =	vadd.s32 s11, v2;
	[tilespmem:s7+$0xFFFFFF10] =	vst v11;
	v7 =	vld.idx.msk [tilespmem:v7+s23+$0x0], $0xffff  }
0x1a5: {  	s9 =	simm.s32 $0x40;
	s26 =	sor.u32 $0x50, s25;
	[tilespmem:s7+$0xFFFFFF90] =	vst v14;
	v14 =	vadd.s32 s30, v2;
	v11 =	vld.idx.msk [tilespmem:v13+s23+$0x0], $0xffff  }
0x1a6: {  	s13 =	sor.u32 $0x50, s9;
	[tilespmem:s26+$0x16080] =	vst v8;
	v13 =	vadd.s32 s24, v2;
	v9 =	vld.idx.msk [tilespmem:v9+s23+$0x0], $0xffff  }
0x1a7: {  	s0 =	simm.s32 $0x140;
	v15 =	vadd.s32 s15, v2;
	[tilespmem:s13+$0x16080] =	vst v12;
	v8 =	vld.idx.msk [tilespmem:v10+s23+$0x0], $0xffff  }
0x1a8: {  	s14 =	sor.u32 $0x50, s0;
	v10 =	vadd.s32 s17, v3;
	[tilespmem:s7+$0x10] =	vst v4  }
0x1a9: {  	v4 =	vadd.s32 s16, v3;
	[tilespmem:s14+$0x16080] =	vst v6;
	v5 =	vld.idx.msk [tilespmem:v5+s23+$0x0], $0xffff  }
0x1aa: {  	[tilespmem:s7+$0x90] =	vst v7;
	v7 =	vadd.s32 s11, v3;
	v14 =	vld.idx.msk [tilespmem:v14+s23+$0x0], $0xffff  }
0x1ab: {  	s16 =	sor.u32 $0x60, s25;
	v6 =	vld.idx.msk [tilespmem:v13+s23+$0x0], $0xffff;
	v13 =	vadd.s32 s28, v1;
	[tilespmem:s7+$0xFFFFFFA0] =	vst v9  }
0x1ac: {  	v12 =	vld.idx.msk [tilespmem:v15+s23+$0x0], $0xffff;
	[tilespmem:s16+$0x16080] =	vst v8;
	v8 =	vadd.s32 s3, v3  }
0x1ad: {  	v9 =	vadd.s32 s24, v3;
	[tilespmem:s7+$0xFFFFFF20] =	vst v11;
	v10 =	vld.idx.msk [tilespmem:v10+s23+$0x0], $0xffff  }
0x1ae: {  	s14 =	simm.s32 $0x500;
	s24 =	sor.u32 $0x60, s0;
	v4 =	vld.idx.msk [tilespmem:v4+s23+$0x0], $0xffff;
	[tilespmem:s7+$0x20] =	vst v5;
	v5 =	vadd.s32 s15, v3  }
0x1af: {  	s2 =	simm.s32 $0x400;
	[tilespmem:s24+$0x16080] =	vst v14;
	v14 =	vadd.s32 s14, v0;
	v7 =	vld.idx.msk [tilespmem:v7+s23+$0x0], $0xffff  }
0x1b0: {  	s17 =	sor.u32 $0x60, s9;
	s11 =	simm.s32 $0x480;
	[tilespmem:s7+$0xA0] =	vst v6;
	v6 =	vld.idx.msk [tilespmem:v13+s23+$0x0], $0xffff;
	v13 =	vadd.s32 s2, v0  }
0x1b1: {  	s3 =	simm.s32 $0x780;
	[tilespmem:s17+$0x16080] =	vst v12;
	v12 =	vadd.s32 s11, v0;
	v8 =	vld.idx.msk [tilespmem:v8+s23+$0x0], $0xffff  }
0x1b2: {  	s25 =	sor.u32 $0x70, s25;
	s16 =	simm.s32 $0x600;
	v11 =	vadd.s32 s3, v0;
	v9 =	vld.idx.msk [tilespmem:v9+s23+$0x0], $0xffff  }
0x1b3: {  	s13 =	simm.s32 $0x580;
	[tilespmem:s25+$0x16080] =	vst v10;
	v10 =	vadd.s32 s16, v0;
	v5 =	vld.idx.msk [tilespmem:v5+s23+$0x0], $0xffff  }
0x1b4: {  	s8 =	simm.s32 $0x1C0;
	s10 =	simm.s32 $0x680;
	[tilespmem:s7+$0xFFFFFFB0] =	vst v4;
	v4 =	vadd.s32 s13, v0;
	v14 =	vld.idx.msk [tilespmem:v14+s23+$0x0], $0xffff  }
0x1b5: {  	s26 =	sor.u32 $0x50, s8;
	s15 =	simm.s32 $0x700;
	[tilespmem:s7+$0x30] =	vst v7;
	v7 =	vld.idx.msk [tilespmem:v13+s23+$0x0], $0xffff;
	v13 =	vadd.s32 s10, v0  }
0x1b6: {  	[tilespmem:s26+$0x16080] =	vst v6;
	v6 =	vld.idx.msk [tilespmem:v12+s23+$0x0], $0xffff;
	v12 =	vadd.s32 s15, v0  }
0x1b7: {  	v11 =	vld.idx.msk [tilespmem:v11+s23+$0x0], $0xffff;
	[tilespmem:s7+$0xB0] =	vst v9;
	v9 =	vadd.s32 s2, v1  }
0x1b8: {  	v15 =	vadd.s32 s11, v1;
	s17 =	sor.u32 $0x70, s9;
	[tilespmem:s7+$0xFFFFFF30] =	vst v8;
	v10 =	vld.idx.msk [tilespmem:v10+s23+$0x0], $0xffff  }
0x1b9: {  	s9 =	simm.s32 $0x16380;
	v8 =	vadd.s32 s14, v1;
	v4 =	vld.idx.msk [tilespmem:v4+s23+$0x0], $0xffff;
	[tilespmem:s17+$0x16080] =	vst v5  }
0x1ba: {  	v5 =	vadd.s32 s13, v1;
	[tilespmem:s9+$0xFFFFFF80] =	vst v14;
	v13 =	vld.idx.msk [tilespmem:v13+s23+$0x0], $0xffff  }
0x1bb: {  	[tilespmem:s9+$0xFFFFFF00] =	vst v7;
	v7 =	vld.idx.msk [tilespmem:v12+s23+$0x0], $0xffff;
	v12 =	vadd.s32 s16, v1  }
0x1bc: {  	[tilespmem:s9+$0xFFFFFF40] =	vst v6;
	v6 =	vadd.s32 s10, v1;
	v9 =	vld.idx.msk [tilespmem:v9+s23+$0x0], $0xffff  }
0x1bd: {  	v14 =	vld.idx.msk [tilespmem:v15+s23+$0x0], $0xffff;
	v15 =	vadd.s32 s15, v1;
	[tilespmem:s9+$0x0] =	vst v10  }
0x1be: {  	v8 =	vld.idx.msk [tilespmem:v8+s23+$0x0], $0xffff;
	v10 =	vadd.s32 s11, v2;
	[tilespmem:s9+$0xFFFFFFC0] =	vst v4  }
0x1bf: {  	v4 =	vadd.s32 s2, v2;
	v5 =	vld.idx.msk [tilespmem:v5+s23+$0x0], $0xffff;
	[tilespmem:s9+$0x40] =	vst v13  }
0x1c0: {  	s25 =	simm.s32 $0x240;
	[tilespmem:s9+$0x80] =	vst v7;
	v7 =	vld.idx.msk [tilespmem:v12+s23+$0x0], $0xffff;
	v12 =	vadd.s32 s13, v2  }
0x1c1: {  	s24 =	sor.u32 $0x50, s25;
	v13 =	vadd.s32 s14, v2;
	v6 =	vld.idx.msk [tilespmem:v6+s23+$0x0], $0xffff;
	[tilespmem:s9+$0xFFFFFF10] =	vst v9  }
0x1c2: {  	s7 =	simm.s32 $0x2C0;
	v9 =	vadd.s32 s16, v2;
	v15 =	vld.idx.msk [tilespmem:v15+s23+$0x0], $0xffff;
	[tilespmem:s24+$0x16080] =	vst v14  }
0x1c3: {  	s17 =	sor.u32 $0x50, s7;
	[tilespmem:s9+$0xFFFFFF90] =	vst v8;
	v14 =	vadd.s32 s10, v2;
	v8 =	vld.idx.msk [tilespmem:v10+s23+$0x0], $0xffff  }
0x1c4: {  	s12 =	simm.s32 $0x340;
	v10 =	vadd.s32 s15, v2;
	v4 =	vld.idx.msk [tilespmem:v4+s23+$0x0], $0xffff;
	[tilespmem:s17+$0x16080] =	vst v5  }
0x1c5: {  	s26 =	sor.u32 $0x50, s12;
	v5 =	vadd.s32 s28, v2;
	v16 =	vld.idx.msk [tilespmem:v12+s23+$0x0], $0xffff;
	[tilespmem:s9+$0x10] =	vst v7  }
0x1c6: {  	[tilespmem:s26+$0x16080] =	vst v6;
	v6 =	vld.idx.msk [tilespmem:v13+s23+$0x0], $0xffff;
	v13 =	vadd.s32 s30, v3  }
0x1c7: {  	v17 =	vadd.s32 s13, v3;
	[tilespmem:s9+$0xC0] =	vst v11;
	v11 =	vld.idx.msk [tilespmem:v9+s23+$0x0], $0xffff  }
0x1c8: {  	s17 =	sor.u32 $0x60, s25;
	v7 =	vadd.s32 s14, v3;
	[tilespmem:s9+$0x90] =	vst v15;
	v18 =	vld.idx.msk [tilespmem:v14+s23+$0x0], $0xffff  }
0x1c9: {  	v15 =	vadd.s32 s16, v3;
	v12 =	vld.idx.msk [tilespmem:v10+s23+$0x0], $0xffff;
	[tilespmem:s17+$0x16080] =	vst v8  }
0x1ca: {  	s24 =	sor.u32 $0x60, s7;
	v14 =	vadd.s32 s3, v1;
	[tilespmem:s9+$0xFFFFFF20] =	vst v4;
	v10 =	vld.idx.msk [tilespmem:v5+s23+$0x0], $0xffff  }
0x1cb: {  	[tilespmem:s24+$0x16080] =	vst v16;
	v8 =	vld.idx.msk [tilespmem:v13+s23+$0x0], $0xffff;
	v13 =	vadd.s32 s15, v3  }
0x1cc: {  	v4 =	vadd.s32 s28, v3;
	[tilespmem:s9+$0xFFFFFFA0] =	vst v6;
	v5 =	vld.idx.msk [tilespmem:v17+s23+$0x0], $0xffff  }
0x1cd: {  	s30 =	simm.s32 $0x8;
	v9 =	vadd.s32 s2, v3;
	s26 =	sor.u32 $0x60, s12;
	[tilespmem:s9+$0x20] =	vst v11;
	v6 =	vld.idx.msk [tilespmem:v7+s23+$0x0], $0xffff  }
0x1ce: {  	s2 =	simm.s32 $0xB80;
	s28 =	simm.s32 $0x3C0;
	v11 =	vadd.s32 s11, v3;
	s15 =	sor.u32 $0x60, s8;
	v7 =	vld.idx.msk [tilespmem:v15+s23+$0x0], $0xffff;
	[tilespmem:s26+$0x16080] =	vst v18  }
.LBB2_9:
0x1cf: {  	s11 =	sadd.s32 $0xFFFFFC80, s2;
	s14 =	sadd.s32 $0xFFFFFE00, s2;
	v15 =	vadd.s32 s2, v0;
	s30 =	sadd.s32 $0x8, s30;
	[tilespmem:s9+$0xA0] =	vst v12;
	v12 =	vld.idx.msk [tilespmem:v14+s23+$0x0], $0xffff  }
0x1d0: {  	s13 =	sadd.s32 $0xFFFFFD00, s2;
	s0 =	sor.u32 $0x70, s0;
	s26 =	sor.u32 $0x70, s8;
	v14 =	vadd.s32 s11, v0;
	v16 =	vadd.s32 s14, v1;
	v13 =	vld.idx.msk [tilespmem:v13+s23+$0x0], $0xffff;
	[tilespmem:s15+$0x16080] =	vst v10  }
0x1d1: {  	s8 =	smov.u32 s28;
	v10 =	vadd.s32 s13, v0;
	s15 =	sadd.s32 $0xFFFFFD80, s2;
	p0 =	slt.u32 s30, $0x78;
	[tilespmem:s0+$0x16080] =	vst v8;
	v4 =	vld.idx.msk [tilespmem:v4+s23+$0x0], $0xffff  }
0x1d2: {  	s7 =	sor.u32 $0x70, s7;
	v8 =	vadd.s32 s15, v0;
	s0 =	smov.u32 s12;
	v9 =	vld.idx.msk [tilespmem:v9+s23+$0x0], $0xffff;
	[tilespmem:s9+$0xFFFFFFB0] =	vst v6  }
0x1d3: {  	s16 =	sadd.s32 $0xFFFFFE80, s2;
	v6 =	vadd.s32 s14, v0;
	v11 =	vld.idx.msk [tilespmem:v11+s23+$0x0], $0xffff;
	[tilespmem:s7+$0x16080] =	vst v5  }
0x1d4: {  	s24 =	sadd.s32 $0xFFFFFF00, s2;
	v5 =	vadd.s32 s16, v0;
	s7 =	sor.u32 $0x50, s28;
	v15 =	vld.idx.msk [tilespmem:v15+s23+$0x0], $0xffff;
	[tilespmem:s9+$0x30] =	vst v7  }
0x1d5: {  	s17 =	sadd.s32 $0xFFFFFF80, s2;
	v7 =	vld.idx.msk [tilespmem:v14+s23+$0x0], $0xffff;
	v14 =	vadd.s32 s24, v0;
	[tilespmem:s7+$0x16080] =	vst v12  }
0x1d6: {  	v12 =	vadd.s32 s17, v0;
	v10 =	vld.idx.msk [tilespmem:v10+s23+$0x0], $0xffff;
	[tilespmem:s9+$0xB0] =	vst v13  }
0x1d7: {  	v13 =	vadd.s32 s11, v1;
	v8 =	vld.idx.msk [tilespmem:v8+s23+$0x0], $0xffff;
	[tilespmem:s26+$0x16080] =	vst v4  }
0x1d8: {  	s7 =	sor.u32 $0x70, s25;
	v4 =	vadd.s32 s13, v1;
	v6 =	vld.idx.msk [tilespmem:v6+s23+$0x0], $0xffff;
	[tilespmem:s9+$0xFFFFFF30] =	vst v9  }
0x1d9: {  	v9 =	vadd.s32 s15, v1;
	s9 =	sadd.s32 $0x200, s9;
	v5 =	vld.idx.msk [tilespmem:v5+s23+$0x0], $0xffff;
	[tilespmem:s7+$0x16080] =	vst v11  }
0x1da: {  	v11 =	vld.idx.msk [tilespmem:v14+s23+$0x0], $0xffff;
	[tilespmem:s9+$0xC0] =	vst v15  }
0x1db: {  	[tilespmem:s9+$0xFFFFFF00] =	vst v7;
	v7 =	vadd.s32 s16, v1;
	v12 =	vld.idx.msk [tilespmem:v12+s23+$0x0], $0xffff  }
0x1dc: {  	v13 =	vld.idx.msk [tilespmem:v13+s23+$0x0], $0xffff;
	[tilespmem:s9+$0xFFFFFF40] =	vst v10;
	v10 =	vadd.s32 s24, v1  }
0x1dd: {  	v4 =	vld.idx.msk [tilespmem:v4+s23+$0x0], $0xffff;
	[tilespmem:s9+$0xFFFFFF80] =	vst v8;
	v8 =	vadd.s32 s17, v1  }
0x1de: {  	v14 =	vadd.s32 s11, v2;
	v9 =	vld.idx.msk [tilespmem:v9+s23+$0x0], $0xffff;
	[tilespmem:s9+$0xFFFFFFC0] =	vst v6  }
0x1df: {  	v6 =	vadd.s32 s13, v2;
	v15 =	vld.idx.msk [tilespmem:v16+s23+$0x0], $0xffff;
	[tilespmem:s9+$0x0] =	vst v5  }
0x1e0: {  	s28 =	sadd.s32 $0x200, s28;
	v5 =	vadd.s32 s15, v2;
	v7 =	vld.idx.msk [tilespmem:v7+s23+$0x0], $0xffff;
	[tilespmem:s9+$0x40] =	vst v11  }
0x1e1: {  	s25 =	sadd.s32 $0xFFFFFE80, s28;
	v11 =	vadd.s32 s14, v2;
	v10 =	vld.idx.msk [tilespmem:v10+s23+$0x0], $0xffff;
	[tilespmem:s9+$0x80] =	vst v12  }
0x1e2: {  	s7 =	sor.u32 $0x50, s25;
	v12 =	vadd.s32 s16, v2;
	[tilespmem:s9+$0xFFFFFF10] =	vst v13;
	v8 =	vld.idx.msk [tilespmem:v8+s23+$0x0], $0xffff  }
0x1e3: {  	v13 =	vld.idx.msk [tilespmem:v14+s23+$0x0], $0xffff;
	[tilespmem:s7+$0x16080] =	vst v4;
	s7 =	sadd.s32 $0xFFFFFF00, s28;
	v14 =	vadd.s32 s24, v2  }
0x1e4: {  	v16 =	vadd.s32 s3, v2;
	v6 =	vld.idx.msk [tilespmem:v6+s23+$0x0], $0xffff;
	[tilespmem:s9+$0xFFFFFF90] =	vst v9;
	s12 =	sor.u32 $0x50, s7;
	v9 =	vadd.s32 s17, v2  }
0x1e5: {  	v5 =	vld.idx.msk [tilespmem:v5+s23+$0x0], $0xffff;
	[tilespmem:s12+$0x16080] =	vst v15;
	s12 =	sadd.s32 $0xFFFFFF80, s28  }
0x1e6: {  	v4 =	vadd.s32 s3, v3;
	s3 =	smov.u32 s2;
	v11 =	vld.idx.msk [tilespmem:v11+s23+$0x0], $0xffff;
	[tilespmem:s9+$0x10] =	vst v7;
	s26 =	sor.u32 $0x50, s12;
	v7 =	vadd.s32 s10, v3;
	s10 =	smov.u32 s24  }
0x1e7: {  	v15 =	vadd.s32 s15, v3;
	v17 =	vld.idx.msk [tilespmem:v12+s23+$0x0], $0xffff;
	[tilespmem:s26+$0x16080] =	vst v10  }
0x1e8: {  	v18 =	vadd.s32 s14, v3;
	v19 =	vld.idx.msk [tilespmem:v14+s23+$0x0], $0xffff;
	[tilespmem:s9+$0x90] =	vst v8  }
0x1e9: {  	v20 =	vadd.s32 s16, v3;
	s14 =	sor.u32 $0x60, s25;
	s15 =	sor.u32 $0x60, s8;
	[tilespmem:s9+$0xFFFFFF20] =	vst v13;
	v12 =	vld.idx.msk [tilespmem:v9+s23+$0x0], $0xffff  }
.Ltmp3:
0x1ea: {  	v14 =	vadd.s32 s2, v1;
	[tilespmem:s14+$0x16080] =	vst v6;
	v10 =	vld.idx.msk [tilespmem:v16+s23+$0x0], $0xffff;
	(pc) =	sbr.rel @p0 .LBB2_9-.Ltmp3, $4  }
0x1eb: {  	v13 =	vadd.s32 s17, v3;
	s14 =	sor.u32 $0x60, s7;
	[tilespmem:s9+$0xFFFFFFA0] =	vst v5;
	v8 =	vld.idx.msk [tilespmem:v7+s23+$0x0], $0xffff  }
0x1ec: {  	v6 =	vld.idx.msk [tilespmem:v15+s23+$0x0], $0xffff;
	[tilespmem:s14+$0x16080] =	vst v11  }
0x1ed: {  	v9 =	vadd.s32 s11, v3;
	s11 =	sor.u32 $0x60, s12;
	v5 =	vld.idx.msk [tilespmem:v18+s23+$0x0], $0xffff;
	[tilespmem:s9+$0x20] =	vst v17  }
0x1ee: {  	s2 =	sadd.s32 $0x400, s2;
	v11 =	vadd.s32 s13, v3;
	v7 =	vld.idx.msk [tilespmem:v20+s23+$0x0], $0xffff;
	[tilespmem:s11+$0x16080] =	vst v19  }
0x1ef: {  	_ =	sdelay $0x3  }
0x1f0: {  	v14 =	vld.idx.msk [tilespmem:v14+s23+$0x0], $0xffff  }
0x1f1: {  	v15 =	vadd.s32 s3, v2  }
0x1f2: {  	[tilespmem:s9+$0xA0] =	vst v12  }
0x1f3: {  	s0 =	sor.u32 $0x70, s0;
	[tilespmem:s15+$0x16080] =	vst v10  }
0x1f4: {  	s2 =	sor.u32 $0x50, s28;
	v62 =	vld.idx.msk [tilespmem:v9+s23+$0x0], $0xffff;
	[tilespmem:s0+$0x16080] =	vst v8  }
0x1f5: {  	v13 =	vld.idx.msk [tilespmem:v13+s23+$0x0], $0xffff;
	[tilespmem:s2+$0x16080] =	vst v14  }
0x1f6: {  	v59 =	vadd.s32 s10, v3;
	s15 =	sor.u32 $0x70, s7;
	[tilespmem:s9+$0xFFFFFFB0] =	vst v6;
	v60 =	vld.idx.msk [tilespmem:v15+s23+$0x0], $0xffff  }
0x1f7: {  	v61 =	vadd.s32 s3, v3;
	v4 =	vld.idx.msk [tilespmem:v4+s23+$0x0], $0xffff;
	[tilespmem:s15+$0x16080] =	vst v5  }
0x1f8: {  	v5 =	vld.idx.msk [tilespmem:v11+s23+$0x0], $0xffff;
	[tilespmem:s9+$0x30] =	vst v7  }
0x1f9: {  	[tilespmem:s9+$0xFFFFFF30] =	vst v62  }
0x1fa: {  	s16 =	sor.u32 $0x60, s28;
	[tilespmem:s9+$0xB0] =	vst v13  }
0x1fb: {  	s17 =	sor.u32 $0x70, s8;
	v63 =	vld.idx.msk [tilespmem:v59+s23+$0x0], $0xffff;
	[tilespmem:s16+$0x16080] =	vst v60  }
0x1fc: {  	s24 =	sor.u32 $0x70, s25;
	[tilespmem:s17+$0x16080] =	vst v4;
	v8 =	vld.idx.msk [tilespmem:v61+s23+$0x0], $0xffff  }
0x1fd: {  	[tilespmem:s24+$0x16080] =	vst v5  }
0x1fe: {  	s2 =	rddreg [dreg:$0xe]  }
0x1ff: {  	s25 =	sor.u32 $0x70, s12;
	s26 =	sor.u32 $0x70, s28;
	s2 =	sadd.s32 @!p1 s6, s2  }
0x200: {  	s3 =	simm.s32 @!p1 $0xC080;
	s18 =	sadd.s32 $0x1, s18;
	[tilespmem:s25+$0x16080] =	vst v63;
	s0 =	sshrl.u32 @!p1 s2, $0x3  }
0x201: {  	p0 =	sne.s32 s18, $0x4D;
	s2 =	simm.s32 @!p1 $0x0;
	s0 =	sadd.s32 @!p1 s1, s0;
	[tilespmem:s26+$0x16080] =	vst v8  }
0x202: {  	[tilespmem:s3], [sflag:$0x4] =	stream.linear.gather @!p1 [hbm4b:s0+s2], $0x4000, $0x38;
	[tilespmem:$0x18080] =	vst v63  }
.Ltmp4:
0x203: {  	s28 =	rddreg [dreg:$0xf];
	(pc) =	sbr.rel @p0 .LBB2_2-.Ltmp4, $4  }
0x204: {  	s0 =	sadd.s32 s19, s28  }
0x205: {  	s0 =	sshrl.u32 s0, $0x3  }
0x206: {  	s30 =	simm.s32 $0x16080;
	s0 =	sadd.s32 s5, s0  }
0x207: {  	[hbm4b:s0+s4] =	stream.linear.scatter [tilespmem:s30], [sflag:$0x8], $0x2000, $0x38;
	[tilespmem:$0x18080] =	vst v63  }
0x208: {  	s0 =	simm.s32 $0x5  }
0x209: {  	_ =	swait.ge [sflag:s0], $0x2000  }
0x20a: {  	[sflag:s0] =	ssyncset.done $0x0  }
0x20b: {  	s26 =	simm.s32 $0x6;
	[sflag:s0] =	ssyncadd.s32 $0xFFFFE000  }
0x20c: {  	_ =	swait.ge [sflag:s26], $0x2000  }
0x20d: {  	[sflag:s26] =	ssyncset.done $0x0  }
0x20e: {  	s28 =	simm.s32 $0x7;
	[sflag:s26] =	ssyncadd.s32 $0xFFFFE000  }
0x20f: {  	_ =	swait.ge [sflag:s28], $0x2000  }
0x210: {  	[sflag:s28] =	ssyncset.done $0x0  }
0x211: {  	s2 =	simm.s32 $0x8;
	[sflag:s28] =	ssyncadd.s32 $0xFFFFE000  }
0x212: {  	_ =	swait.ge [sflag:s2], $0x2000  }
0x213: {  	s3 =	rddreg [dreg:$0x11]  }
0x214: {  	s30 =	rddreg [dreg:$0x10];
	s3 =	sadd.s32 $0x1, s3  }
0x215: {  	p0 =	sne.s32 s3, s30  }
.Ltmp5:
0x216: {  	_ = 	snop;
	(pc) =	sbr.rel @p0 .LBB2_1-.Ltmp5, $3  }
0x217: {  	_ =	sdelay $0x1  }
0x218: {  	[sflag:s2] =	ssyncset.done $0x0  }
0x219: {  	[sflag:s2] =	ssyncadd.s32 $0xFFFFE000  }
0x21a: {  	_ =	sfence.sel $0x180000  }
0x21b: {  	[bflag:$0x0] =	sbarrier.arrive $0xFFFF  }
0x21c: {  	_ =	strace $0x90000047  }
0x21d: {  	s0 =	stileid.u32;
	[bflag:$0x2] =	sbarrier.arrive $0xFFFF  }
0x21e: {  	p0 =	sne.s32 s0, $0x0;
	s0 =	rddreg [dreg:$0x3]  }
0x21f: {  	s0 =	sadd.s32 @!p0 $0x100000, s0  }
0x220: {  	[sflag:s0] =	ssyncadd.tile.s32 @!p0 $0x1;
	_ =	shalt  }
.Lfunc_end2:
_tile_overlayer_lowered:
.L_overlay_start_2:
0x221: {  	(tag) =	ssettag $0x2  }
0x222: {  	s0 =	rddreg [dreg:$0x0];
	s2 =	stileid.u32  }
0x223: {  	s1 =	rddreg [dreg:$0x1];
	p0 =	sne.s32 s2, $0x0  }
0x224: {  	s3 =	rddreg [dreg:$0x2];
	[bflag:$0x3] =	sbarrier.arrive $0xFFFF;
	s2 =	simm.s32 @!p0 $0x1C09  }
0x225: {  	[timem:s3], [sflag:s2] =	dma.local @!p0 [hbm:s0], s1  }
0x226: {  	s0 =	simm.s32 @!p0 $0x9  }
0x227: {  	_ =	swait.ge @!p0 [sflag:s0], s1  }
0x228: {  	s1 =	ssub.s32 @!p0 $0x0, s1;
	[sflag:s0] =	ssyncset.done @!p0 $0x0  }
0x229: {  	[sflag:s0] =	ssyncadd.s32 @!p0 s1  }
0x22a: {  	[bflag:$0x3] =	sbarrier.arrive $0xFFFF  }
0x22b: {  	_ =	shalt  }

// kernel: sparse-core-data-format-call.cloned.1.call-start
scs
called_computation_lowered:
.L_overlay_start_0:
0x0: {  	s2 =	sld [smem:$0x3FD9]  }
0x1: {  	s3 =	sld [smem:$0x3FFE];
	_ =	sdelay $0x1  }
0x2: {  	s1 =	srdreg.scid  }
0x3: {  	s0 =	sand.u32 $0x1, s1  }
0x4: {  	s18 =	sshll.u32 s0, $0xA;
	s2 =	sadd.s32 s3, s2  }
0x5: {  	s2 =	sadd.s32 s2, s18  }
0x6: {  	[smem:$0x3FC6] =	sst s2  }
0x7: {  	_ = 	snop  }
0x8: {  	s2 =	sld [smem:$0x3FD0];
	(tm) =	ssettm $0x1  }
0x9: {  	s19 =	sld [smem:$0x3FFB];
	_ =	sdelay $0x3  }
0xa: {  	_ =	strace s19  }
0xb: {  	s3 =	sld [smem:$0x3FFC];
	_ =	sdelay $0x3  }
0xc: {  	_ =	strace s3  }
0xd: {  	s3 =	sld [smem:$0x3FFD];
	_ =	sdelay $0x3  }
0xe: {  	_ =	strace s3  }
0xf: {  	_ =	strace $0x8FFFFFFF  }
0x10: {  	s20 =	sld [smem:$0x3FDB];
	_ =	sdelay $0x1  }
0x11: {  	s4 =	simm.s32 $_scs_section_size  }
0x12: {  	s5 =	simm.s32 $_size__tile_overlayer_lowered;
	s6 =	simm.s32 $_tile_overlayer_lowered  }
0x13: {  	s23 =	simm.s32 $0x1BFF;
	s22 =	sshll.u32 s6, $0x1;
	s3 =	sadd.s32 s4, s20  }
0x14: {  	s7 =	simm.s32 $0x0;
	s21 =	sshll.u32 s5, $0x1;
	s5 =	sadd.s32 s22, s3  }
0x15: {  	[timem:s7], [sflag:s23] =	dma.local [hbm:s5], s21  }
0x16: {  	_ =	swait.ge [sflag:s23], s21  }
0x17: {  	s4 =	ssub.s32 $0x0, s21;
	[sflag:s23] =	ssyncset.done $0x0  }
0x18: {  	[sflag:s23] =	ssyncadd.s32 s4;
	_ =	sdelay $0x1  }
0x19: {  	s24 =	simm.s32 $0x1B8B  }
0x1a: {  	_ =	swait.ge [sflag:s24], $0x1  }
0x1b: {  	[sflag:s24] =	ssyncset.done $0x0  }
0x1c: {  	s26 =	simm.s32 $0x1B8E;
	s25 =	sld [smem:$0x3FFE];
	[sflag:s24] =	ssyncadd.s32 $0xFFFFFFFF  }
0x1d: {  	s27 =	simm.s32 $execute0_lowered;
	[smem:$0x3FD2] =	sst s26  }
0x1e: {  	s5 =	sshll.u32 s27, $0x1;
	_ =	strace $0x80000049;
	[dreg:$0x1] =	wrdreg $0xFFFFFFFF  }
0x1f: {  	s28 =	simm.s32 $_size_execute0_lowered;
	s3 =	sadd.s32 s3, s5;
	[dreg:$0x0] =	wrdreg $0x0  }
0x20: {  	s5 =	sshll.u32 s28, $0x1;
	[dreg:$0x2] =	wrdreg s3  }
0x21: {  	[dreg:$0x3] =	wrdreg s5  }
0x22: {  	[dreg:$0x4] =	wrdreg $0xC0  }
0x23: {  	_ =	task [dreg:s7], $0x5FFFF  }
0x24: {  	[dreg:$0x1] =	wrdreg $0xFFFFFFFF  }
0x25: {  	[dreg:$0x0] =	wrdreg $0x60  }
0x26: {  	[dreg:$0x2] =	wrdreg s25  }
0x27: {  	[dreg:$0x3] =	wrdreg s2  }
0x28: {  	[dreg:$0x4] =	wrdreg $0x9  }
0x29: {  	_ =	task.clear_ibuf [dreg:s7], $0x5FFFF;
	_ =	strace $0x90000049  }
0x2a: {  	s29 =	simm.s32 $0x9;
	_ =	strace $0x8000004B  }
0x2b: {  	_ =	swait.ge [sflag:s29], $0x1  }
0x2c: {  	[sflag:s29] =	ssyncadd.s32 $0xFFFFFFFF  }
0x2d: {  	_ =	strace $0x9000004B  }
0x2e: {  	_ =	sfence  }
0x2f: {  	s30 =	sld [smem:$0x0];
	_ =	sdelay $0x2  }
0x30: {  	s31 =	sshll.u32 s1, $0xD;
	s1 =	sshrl.u32 s1, $0x2  }
0x31: {  	s3 =	sand.u32 $0x4000, s31;
	s1 =	sadd.s32 s1, s30  }
0x32: {  	s0 =	sor.u32 s3, s0;
	s1 =	sshll.u32 s1, $0x11  }
0x33: {  	s0 =	sor.u32 s1, s0  }
0x34: {  	s0 =	sadd.s32 $0x8F2B, s0  }
0x35: {  	[sflag:s0] =	ssyncadd.remote.s32 $0x1  }
0x36: {  	_ =	sfence.sel $0xFFFF  }
0x37: {  	[dreg:$0x0] =	wrdreg $0xFFFFFFFF;
	(pc) =	sbr.abs _section_cstart, $3  }
0x38: {  	[dreg:$0x1] =	wrdreg $0xFFFFFFFF  }
0x39: {  	_ =	task.clear_ibuf [dreg:s7], $0x2FFFF;
	_ =	strace $0x9FFFFFFF  }
0x3a: {  	(tm) =	ssettm $0x7FFFFFFF  }
0x3b: {  	_ =	shalt  }
tec
execute0_lowered:
.L_overlay_start_1:
0x0: {  	(tag) =	ssettag $0x1  }
0x1: {  	s0 =	srdreg.scid  }
0x2: {  	s1 =	sshll.u32 s0, $0x4  }
0x3: {  	s0 =	stileid.u32;
	s1 =	sand.u32 $0x10, s1  }
0x4: {  	s1 =	sor.u32 s0, s1  }
0x5: {  	s6 =	rddreg [dreg:$0x0];
	s4 =	simm.s32 $0x1;
	s2 =	sshll.u32 s1, $0x7  }
0x6: {  	s7 =	simm.s32 $0x2;
	s12 =	simm.s32 $0x0;
	s1 =	ssub.s32 $0x4000, s2  }
0x7: {  	s8 =	simm.s32 $0x20000;
	s13 =	simm.s32 $0x0;
	s3 =	sand.u32 $0xF80, s1  }
0x8: {  	s9 =	simm.s32 $0x0;
	s5 =	sshrl.u32 s1, $0xC;
	p0 =	sne.s32 s3, $0x0  }
.Ltmp0:
0x9: {  	s1 =	rddreg [dreg:$0x2];
	s4 =	simm.s32 @!p0 $0x0;
	(pc) =	sbr.rel .LBB1_1-.Ltmp0, $4  }
0xa: {  	s11 =	simm.s32 $0x0;
	s3 =	rddreg [dreg:$0x1];
	s5 =	sadd.s32 s4, s5  }
0xb: {  	_ =	strace $0x8000004A;
	s4 =	simm.s32 $0x1;
	s5 =	smul.u32 $0xC8, s5  }
0xc: {  	s6 =	sadd.s32 $0x9A0A00, s6;
	s10 =	smov.u32 s2;
	[sflag:s4] =	ssyncpa.u1 $0x0  }
0xd: {  	p0 =	por $0x0, $0x0;
	[sflag:s7] =	ssyncpa.u1 $0x0;
	s7 =	sor.u32 $0x1, s5  }
.LBB1_4:
0xe: {  	s16 =	sshll.u32 s13, $0x3;
	s17 =	sand.u32 $0x78, s13  }
0xf: {  	s30 =	sand.u32 $0x1F800, s13;
	s12 =	sshll.u32 s12, $0x11;
	s16 =	sand.u32 $0x3C00, s16  }
0x10: {  	[tilespmem:s15+$0x810 ss:$0x81] =	vst.msk $0xffff, v2;
	s31 =	sand.u32 $0x7, s13;
	s16 =	sor.u32 s17, s16;
	s17 =	sadd.s32 s3, s30  }
0x11: {  	[tilespmem:s15+$0x1020 ss:$0x81] =	vst.msk $0xffff, v0;
	s13 =	sshll.u32 s31, $0x12;
	s12 =	sadd.s32 s12, s17;
	s16 =	sshrl.u32 s16, $0x3  }
0x12: {  	[tilespmem:s15+$0x0 ss:$0x81] =	vst.msk $0xffff, v1;
	s13 =	sor.u32 $0x400, s13;
	s12 =	sadd.s32 s16, s12  }
0x13: {  	[hbm4b:s12+s13] =	stream.strided.scatter [tilespmem:s14], [sflag:$0x2], $0x2000, s8, s13, $0x20;
	[tilespmem:$0x8080] =	vst v63  }
.LBB1_5:
0x14: {  	s14 =	sadd.s32 $0x1, s9  }
0x15: {  	s12 =	sadd.s32 $0x1000, s10;
	s16 =	smov.u32 s10;
	p2 =	sgt.s32 s14, $0xC7  }
0x16: {  	s16 =	smov.u32 @p2 s12  }
0x17: {  	s14 =	simm.s32 @p2 $0x0;
	p2 =	sgt.s32 s16, $0x3FFF  }
0x18: {  	s16 =	smov.u32 @p2 s2;
	p2 =	sne.s32 s11, s7  }
.Ltmp1:
0x19: {  	p1 =	slt.u32 s11, $0x2;
	(pc) =	sbr.rel @!p2 .LBB1_6-.Ltmp1, $4  }
0x1a: {  	s15 =	simm.s32 @!p1 $0x2  }
0x1b: {  	s13 =	smov.u32 s10;
	p0 =	por !p0, !p0;
	_ =	swait.ge @!p1 [sflag:s15], $0x2000  }
0x1c: {  	s12 =	smov.u32 s9;
	[sflag:s15] =	ssyncset.done @!p1 $0x0;
	s9 =	smov.u32 s14  }
0x1d: {  	s11 =	sadd.s32 $0x1, s11;
	[sflag:s15] =	ssyncadd.s32 @!p1 $0xFFFFE000;
	s10 =	smov.u32 s16  }
.LBB1_1:
0x1e: {  	p1 =	sge.u32 s11, s5  }
0x1f: {  	s14 =	sand.u32 @!p1 $0x1FFFFFF, s9  }
0x20: {  	s15 =	smulhi.u32 @!p1 $0x147AE15, s14;
	_ =	sdelay $0x1  }
0x21: {  	s15 =	smul.u32 @!p1 $0xC8, s15  }
0x22: {  	s16 =	sxor.u32 @!p1 $0xFFFFFFFF, s11;
	s17 =	smul.u32 @!p1 $0xC80, s10  }
0x23: {  	s31 =	sadd.s32 $0xFFFFFFFF, s11;
	s16 =	sshll.u32 @!p1 s16, $0xD;
	s14 =	ssub.s32 @!p1 s14, s15  }
0x24: {  	s15 =	sand.u32 @!p1 $0x2000, s16;
	s16 =	sadd.s32 @!p1 s6, s17;
	s14 =	sshll.u32 @!p1 s14, $0x4  }
0x25: {  	s17 =	simm.s32 @!p1 $0x6400;
	s14 =	sadd.s32 @!p1 s14, s16;
	s16 =	simm.s32 @!p1 $0x40  }
0x26: {  	[tilespmem:s15], [sflag:$0x1] =	stream.strided.gather @!p1 [hbm4b:s14+s16], $0x2000, s17, s16, $0x38;
	[tilespmem:$0x8080] =	vst v63  }
0x27: {  	p1 =	sge.u32 s31, s5  }
.Ltmp2:
0x28: {  	_ = 	snop;
	(pc) =	sbr.rel @p1 .LBB1_5-.Ltmp2, $1  }
0x29: {  	_ =	sdelay $0x3  }
0x2a: {  	s14 =	simm.s32 $0x1  }
0x2b: {  	_ =	swait.ge [sflag:s4], $0x2000;
	s14 =	simm.s32 @!p0 $0x0  }
0x2c: {  	[sflag:s4] =	ssyncset.done $0x0;
	s15 =	sshll.u32 s14, $0xD  }
0x2d: {  	[sflag:s4] =	ssyncadd.s32 $0xFFFFE000;
	s18 =	sor.u32 $0x20, s15  }
0x2e: {  	s14 =	smul.u32 $0x8100, s14;
	v3 =	vld [tilespmem:s18+$0x10]  }
0x2f: {  	s30 =	sand.u32 $0x1, s11;
	v2 =	vld [tilespmem:s18+$0xFFFFFFF0]  }
0x30: {  	s15 =	smul.u32 $0x8100, s30;
	s14 =	sshrl.u32 s14, $0x2;
	v0 =	vld [tilespmem:s18+$0x0]  }
0x31: {  	v1 =	vld [tilespmem:s18+$0xFFFFFFE0];
	s16 =	sor.u32 $0x4000, s14  }
0x32: {  	s31 =	sshrl.u32 s15, $0x2;
	s15 =	sadd.s32 $0x0, s16  }
0x33: {  	s17 =	simm.s32 $0x4;
	s18 =	sadd.s32 $0x40, s18;
	s14 =	sor.u32 $0x4000, s31;
	[tilespmem:s15+$0x1830 ss:$0x81] =	vst.msk $0xffff, v3  }
.LBB1_3:
0x34: {  	v3 =	vld [tilespmem:s18+$0x10];
	p1 =	sne.s32 s17, $0x1FC;
	[tilespmem:s15+$0x810 ss:$0x81] =	vst.msk $0xffff, v2;
	s19 =	smov.u32 s17;
	s17 =	sadd.s32 $0x4, s17  }
.Ltmp3:
0x35: {  	v2 =	vld [tilespmem:s18+$0xFFFFFFF0];
	[tilespmem:s15+$0x1020 ss:$0x81] =	vst.msk $0xffff, v0;
	(pc) =	sbr.rel @p1 .LBB1_3-.Ltmp3, $4  }
0x36: {  	v0 =	vld [tilespmem:s18+$0x0];
	[tilespmem:s15+$0x0 ss:$0x81] =	vst.msk $0xffff, v1  }
0x37: {  	s15 =	sshra.s32 s19, $0x2;
	v1 =	vld [tilespmem:s18+$0xFFFFFFE0]  }
0x38: {  	s15 =	sadd.s32 s15, s16  }
0x39: {  	s18 =	sadd.s32 $0x40, s18;
	[tilespmem:s15+$0x1830 ss:$0x81] =	vst.msk $0xffff, v3  }
.Ltmp4:
0x3a: {  	_ = 	snop;
	(pc) =	sbr.rel .LBB1_4-.Ltmp4, $1  }
0x3b: {  	_ =	sdelay $0x3  }
.LBB1_6:
0x3c: {  	_ =	sfence.sel $0x180000  }
0x3d: {  	s2 =	simm.s32 $0x1;
	[bflag:$0x0] =	sbarrier.arrive $0xFFFF  }
0x3e: {  	s31 =	simm.s32 $0x2;
	[sflag:s2] =	ssyncpa.u1 $0x1  }
0x3f: {  	[sflag:s31] =	ssyncpa.u1 $0x1  }
0x40: {  	p0 =	sne.s32 s0, $0x0;
	_ =	strace $0x9000004A  }
0x41: {  	s0 =	sadd.s32 @!p0 $0x100000, s1;
	[bflag:$0x2] =	sbarrier.arrive $0xFFFF  }
0x42: {  	[sflag:s0] =	ssyncadd.tile.s32 @!p0 $0x1;
	_ =	shalt  }
.Lfunc_end1:
_tile_overlayer_lowered:
.L_overlay_start_2:
0x43: {  	(tag) =	ssettag $0x2  }
0x44: {  	s0 =	rddreg [dreg:$0x0];
	s2 =	stileid.u32  }
0x45: {  	s1 =	rddreg [dreg:$0x1];
	p0 =	sne.s32 s2, $0x0  }
0x46: {  	s3 =	rddreg [dreg:$0x2];
	[bflag:$0x3] =	sbarrier.arrive $0xFFFF;
	s2 =	simm.s32 @!p0 $0x1C01  }
0x47: {  	[timem:s3], [sflag:s2] =	dma.local @!p0 [hbm:s0], s1  }
0x48: {  	s0 =	simm.s32 @!p0 $0x1  }
0x49: {  	_ =	swait.ge @!p0 [sflag:s0], s1  }
0x4a: {  	s1 =	ssub.s32 @!p0 $0x0, s1;
	[sflag:s0] =	ssyncset.done @!p0 $0x0  }
0x4b: {  	[sflag:s0] =	ssyncadd.s32 @!p0 s1  }
0x4c: {  	[bflag:$0x3] =	sbarrier.arrive $0xFFFF  }
0x4d: {  	_ =	shalt  }

</sc_bundles>
